<compile_context>
chip_gen: v7x
topology: tpu7x:2x2x1
jax: 0.10.2.dev20260603
libtpu: 0.0.44.dev20260713+nightly
codegen_flags: <defaults>
</compile_context>

<pallas_src>
import functools

import jax
import jax.numpy as jnp
from jax import lax
from jax.experimental import pallas as pl
from jax.experimental.pallas import tpu as pltpu
from jax.experimental.pallas import tpu_sc as plsc

NC = 2
NS = 16
L = 16
NW = NC * NS
C = 128


def _pad_rows(n):
    return -(-n // (NS * 128)) * NS * 128



@functools.lru_cache(maxsize=None)
def _make_deg_kernel(EP, N):
    EPT = EP // NW
    CH = EPT // C
    NP = _pad_rows(N)
    RT = NP // NS
    ZR = 128
    W = 128
    assert EPT % C == 0 and RT % ZR == 0

    mesh = plsc.VectorSubcoreMesh(core_axis_name="c", subcore_axis_name="s")

    @functools.partial(
        pl.kernel,
        out_type=jax.ShapeDtypeStruct((NC * NP, W), jnp.float32),
        mesh=mesh,
        scratch_types=[
            pltpu.VMEM((1, C), jnp.int32),
            pltpu.VMEM((C, W), jnp.float32),
            pltpu.VMEM_SHARED((NP, W), jnp.float32),
        ],
    )
    def deg_kernel(dst_hbm, degp_hbm, didx, ones_v, deg_sh):
        c = lax.axis_index("c")
        s = lax.axis_index("s")
        zero16 = jnp.zeros((L,), jnp.float32)
        one16 = jnp.ones((L,), jnp.float32)
        G = W // L

        def fz(i, _):
            ones_v[i // G, pl.ds((i % G) * L, L)] = zero16
            return 0

        lax.fori_loop(0, ZR * G, fz, 0)

        def zc(k, _):
            pltpu.sync_copy(ones_v.at[pl.ds(0, ZR)],
                            deg_sh.at[pl.ds(s * RT + k * ZR, ZR)])
            return 0

        lax.fori_loop(0, RT // ZR, zc, 0)

        def fo(i, _):
            ones_v[i // G, pl.ds((i % G) * L, L)] = one16
            return 0

        lax.fori_loop(0, C * G, fo, 0)
        plsc.subcore_barrier()

        base = (c * NS + s) * EPT

        def chunk(i, _):
            pltpu.sync_copy(dst_hbm.at[pl.ds(base + i * C, C)], didx.at[0])
            pltpu.sync_copy(ones_v, deg_sh.at[didx.at[0]], add=True)
            return 0

        lax.fori_loop(0, CH, chunk, 0)
        plsc.subcore_barrier()

        def wb(k, _):
            pltpu.sync_copy(
                deg_sh.at[pl.ds(s * RT + k * ZR, ZR)],
                degp_hbm.at[pl.ds(c * NP + s * RT + k * ZR, ZR)],
            )
            return 0

        lax.fori_loop(0, RT // ZR, wb, 0)

    return deg_kernel


@functools.lru_cache(maxsize=None)
def _make_agg_kernel(EP, N, D):
    EPT = EP // NW
    CH = EPT // C
    NP = _pad_rows(N)
    RT = NP // NS
    ZR = 128
    G = D // L
    assert EPT % C == 0 and RT % ZR == 0 and D % L == 0

    mesh = plsc.VectorSubcoreMesh(core_axis_name="c", subcore_axis_name="s")

    @functools.partial(
        pl.kernel,
        out_type=jax.ShapeDtypeStruct((NC * NP, D), jnp.float32),
        mesh=mesh,
        scratch_types=[
            pltpu.VMEM((1, C), jnp.int32),
            pltpu.VMEM((1, C), jnp.int32),
            pltpu.VMEM((C, D), jnp.float32),
            pltpu.VMEM((ZR, D), jnp.float32),
            pltpu.VMEM_SHARED((NP, D), jnp.float32),
            pltpu.SemaphoreType.DMA,
        ],
    )
    def agg_kernel(y_hbm, src_hbm, dst_hbm, aggp_hbm,
                   sidx, didx, rows_v, zbuf_v, agg_sh, sem):
        c = lax.axis_index("c")
        s = lax.axis_index("s")
        zero16 = jnp.zeros((L,), jnp.float32)

        def fz(i, _):
            zbuf_v[i // G, pl.ds((i % G) * L, L)] = zero16
            return 0

        lax.fori_loop(0, ZR * G, fz, 0)

        def zc(k, _):
            pltpu.sync_copy(zbuf_v, agg_sh.at[pl.ds(s * RT + k * ZR, ZR)])
            return 0

        lax.fori_loop(0, RT // ZR, zc, 0)
        plsc.subcore_barrier()

        base = (c * NS + s) * EPT

        def chunk(i, _):
            pltpu.sync_copy(src_hbm.at[pl.ds(base + i * C, C)], sidx.at[0])
            pltpu.sync_copy(dst_hbm.at[pl.ds(base + i * C, C)], didx.at[0])
            pltpu.async_copy(y_hbm.at[sidx.at[0]], rows_v, sem).wait()
            pltpu.sync_copy(rows_v, agg_sh.at[didx.at[0]], add=True)
            return 0

        lax.fori_loop(0, CH, chunk, 0)
        plsc.subcore_barrier()

        def wb(k, _):
            pltpu.sync_copy(
                agg_sh.at[pl.ds(s * RT + k * ZR, ZR)],
                aggp_hbm.at[pl.ds(c * NP + s * RT + k * ZR, ZR)],
            )
            return 0

        lax.fori_loop(0, RT // ZR, wb, 0)

    return agg_kernel



_BR = 1000


def _mm_scale(x, W, deg2):
    N, Din = x.shape
    Dout = W.shape[1]

    def body(x_ref, w_ref, d_ref, o_ref):
        dis = lax.rsqrt(d_ref[...])
        o_ref[...] = dis * jnp.dot(
            x_ref[...], w_ref[...], preferred_element_type=jnp.float32
        )

    return pl.pallas_call(
        body,
        grid=(N // _BR,),
        in_specs=[
            pl.BlockSpec((_BR, Din), lambda i: (i, 0)),
            pl.BlockSpec((Din, Dout), lambda i: (0, 0)),
            pl.BlockSpec((_BR, 1), lambda i: (i, 0)),
        ],
        out_specs=pl.BlockSpec((_BR, Dout), lambda i: (i, 0)),
        out_shape=jax.ShapeDtypeStruct((N, Dout), jnp.float32),
    )(x, W, deg2)


def _mid(aggp, y1, deg2, b1, W2):
    N, D = y1.shape
    Dout = W2.shape[1]

    def body(a_ref, y_ref, d_ref, b_ref, w_ref, o_ref):
        dis = lax.rsqrt(d_ref[...])
        h = jnp.maximum(
            dis * (a_ref[0] + a_ref[1] + y_ref[...]) + b_ref[...], 0.0
        )
        o_ref[...] = dis * jnp.dot(
            h, w_ref[...], preferred_element_type=jnp.float32
        )

    return pl.pallas_call(
        body,
        grid=(N // _BR,),
        in_specs=[
            pl.BlockSpec((NC, _BR, D), lambda i: (0, i, 0)),
            pl.BlockSpec((_BR, D), lambda i: (i, 0)),
            pl.BlockSpec((_BR, 1), lambda i: (i, 0)),
            pl.BlockSpec((1, D), lambda i: (0, 0)),
            pl.BlockSpec((D, Dout), lambda i: (0, 0)),
        ],
        out_specs=pl.BlockSpec((_BR, Dout), lambda i: (i, 0)),
        out_shape=jax.ShapeDtypeStruct((N, Dout), jnp.float32),
    )(aggp, y1, deg2, b1, W2)


def _fin(aggp, y2, deg2, b2):
    N, D = y2.shape

    def body(a_ref, y_ref, d_ref, b_ref, o_ref):
        dis = lax.rsqrt(d_ref[...])
        o_ref[...] = dis * (a_ref[0] + a_ref[1] + y_ref[...]) + b_ref[...]

    return pl.pallas_call(
        body,
        grid=(N // _BR,),
        in_specs=[
            pl.BlockSpec((NC, _BR, D), lambda i: (0, i, 0)),
            pl.BlockSpec((_BR, D), lambda i: (i, 0)),
            pl.BlockSpec((_BR, 1), lambda i: (i, 0)),
            pl.BlockSpec((1, D), lambda i: (0, 0)),
        ],
        out_specs=pl.BlockSpec((_BR, D), lambda i: (i, 0)),
        out_shape=jax.ShapeDtypeStruct((N, D), jnp.float32),
    )(aggp, y2, deg2, b2)



def kernel(x, edge_index, W1, b1, W2, b2):
    N, _ = x.shape
    E = edge_index.shape[1]
    D = W1.shape[1]
    NP = _pad_rows(N)

    src = edge_index[0].astype(jnp.int32)
    dst = edge_index[1].astype(jnp.int32)

    EP = NW * C * (-(-E // (NW * C)))
    if EP != E:
        pad = EP - E
        src = jnp.concatenate([src, jnp.zeros((pad,), jnp.int32)])
        dst = jnp.concatenate([dst, jnp.full((pad,), NP - 1, jnp.int32)])
    degp = _make_deg_kernel(EP, N)(dst)
    deg = degp.reshape(NC, NP, 128)[:, :N, 0].sum(0) + 1.0
    deg2 = deg.reshape(N, 1)

    y1 = _mm_scale(x, W1, deg2)
    agg1 = _make_agg_kernel(EP, N, D)(y1, src, dst).reshape(NC, NP, D)
    y2 = _mid(agg1, y1, deg2, b1.reshape(1, D), W2)
    agg2 = _make_agg_kernel(EP, N, D)(y2, src, dst).reshape(NC, NP, D)
    return _fin(agg2, y2, deg2, b2.reshape(1, D))

# --- scband reference (transcript-rebuilt; emitter-appended) ---
"""Pipeline reference for scband-gcn-20280835571967 (READ-ONLY COPY).

The authoritative reference and input builder live on the scoring server;
editing this copy changes nothing except your own understanding.
"""

import jax, jax.numpy as jnp
import numpy as np

N_NODES = 10000
N_EDGES = 320000
D_IN = 128
D_HID = 128
D_OUT = 128


def _gcn_conv(x, edge_index, W, b):
    n = x.shape[0]
    src = edge_index[0]
    dst = edge_index[1]
    # add self-loops (PyG GCNConv default)
    loop = jnp.arange(n, dtype=edge_index.dtype)
    src = jnp.concatenate([src, loop])
    dst = jnp.concatenate([dst, loop])
    # symmetric normalization: deg computed on target nodes
    deg = jnp.zeros((n,), dtype=x.dtype).at[dst].add(1.0)
    deg_inv_sqrt = jnp.where(deg > 0, deg ** -0.5, 0.0)
    norm = deg_inv_sqrt[src] * deg_inv_sqrt[dst]
    # linear transform then gather/scatter message passing
    xw = x @ W
    msg = xw[src] * norm[:, None]
    out = jnp.zeros((n, W.shape[1]), dtype=x.dtype).at[dst].add(msg)
    return out + b


def setup_inputs(seed: int = 0) -> dict:
    key = jax.random.key(seed)
    k1, k2, k3, k4, k5 = jax.random.split(key, 5)
    x = jax.random.normal(k1, (N_NODES, D_IN), dtype=jnp.float32)
    edge_index = jax.random.randint(k2, (2, N_EDGES), 0, N_NODES, dtype=jnp.int64)
    s1 = (1.0 / np.sqrt(D_IN)).astype(np.float32) if isinstance(np.sqrt(D_IN), np.ndarray) else np.float32(1.0 / np.sqrt(D_IN))
    s2 = np.float32(1.0 / np.sqrt(D_HID))
    W1 = jax.random.uniform(k3, (D_IN, D_HID), dtype=jnp.float32, minval=-s1, maxval=s1)
    b1 = jnp.zeros((D_HID,), dtype=jnp.float32)
    W2 = jax.random.uniform(k4, (D_HID, D_OUT), dtype=jnp.float32, minval=-s2, maxval=s2)
    b2 = jnp.zeros((D_OUT,), dtype=jnp.float32)
    return {"x": x, "edge_index": edge_index, "W1": W1, "b1": b1, "W2": W2, "b2": b2}


def reference(x, edge_index, W1, b1, W2, b2):
    # GCN.forward: conv1 -> relu -> dropout (identity in eval) -> conv2
    h = _gcn_conv(x, edge_index, W1, b1)
    h = jax.nn.relu(h)
    # F.dropout with training=False is identity (eval-mode reference)
    out = _gcn_conv(h, edge_index, W2, b2)
    return out

if __name__ == "__main__":
    import jax
    _d = setup_inputs()
    print(jax.jit(kernel)(*tuple(_d.values())))

</pallas_src>

<mosaic_0001>
#map = affine_map<(d0, d1) -> (0)>
#map1 = affine_map<(d0, d1) -> (0, 0)>
module attributes {stable_mosaic.version = 14 : i64} {
  func.func @deg_kernel(%arg0: i32, %arg1: i32, %arg2: memref<323584xi32, #tpu.memory_space<hbm>>, %arg3: memref<20480x128xf32, #tpu.memory_space<hbm>>, %arg4: memref<1x128xi32, #tpu.memory_space<vmem>>, %arg5: memref<128x128xf32, #tpu.memory_space<vmem>>, %arg6: memref<10240x128xf32, #tpu.memory_space<vmem_shared>>) attributes {dimension_semantics = [#tpu.dimension_semantics<core_parallel>, #tpu.dimension_semantics<subcore_parallel>], iteration_bounds = array<i64: 2, 16>, scalar_prefetch = 0 : i64, scratch_operands = 3 : i64, tpu.core_type = #tpu.core_type<sc_vector_subcore>, window_params = [{transform_indices = #map}, {transform_indices = #map1}]} {
    %broadcast_in_dim3A = arith.constant 0.000000e+00 : f32
    %broadcast_in_dim3A_0 = vector.broadcast %broadcast_in_dim3A : f32 to vector<16xf32>
    %broadcast_in_dim3A_1 = arith.constant 1.000000e+00 : f32
    %broadcast_in_dim3A_2 = vector.broadcast %broadcast_in_dim3A_1 : f32 to vector<16xf32>
    %scan3A = arith.constant 0 : i32
    %scan3A_3 = arith.constant 0 : i32
    %scan3A_4 = arith.constant 1024 : i32
    %scan3A_5 = arith.addi %scan3A_3, %scan3A_4 : i32
    %scan3A_6 = arith.constant 1 : i32
    %scan3A_7 = scf.for %scan3A_41 = %scan3A_3 to %scan3A_5 step %scan3A_6 iter_args(%scan3A_42 = %scan3A) -> (i32)  : i32 {
      %jit3A = arith.constant 8 : i32
      %div3A = arith.divsi %scan3A_41, %jit3A : i32
      %sign3A = arith.constant 0 : i32
      %sign3A_43 = arith.cmpi sgt, %scan3A_41, %sign3A : i32
      %sign3A_44 = arith.extui %sign3A_43 : i1 to i32
      %sign3A_45 = arith.constant 0 : i32
      %sign3A_46 = arith.cmpi slt, %scan3A_41, %sign3A_45 : i32
      %sign3A_47 = arith.extui %sign3A_46 : i1 to i32
      %sign3A_48 = arith.subi %sign3A_44, %sign3A_47 : i32
      %sign3A_49 = arith.constant 0 : i32
      %sign3A_50 = arith.cmpi sgt, %jit3A, %sign3A_49 : i32
      %sign3A_51 = arith.extui %sign3A_50 : i1 to i32
      %sign3A_52 = arith.constant 0 : i32
      %sign3A_53 = arith.cmpi slt, %jit3A, %sign3A_52 : i32
      %sign3A_54 = arith.extui %sign3A_53 : i1 to i32
      %sign3A_55 = arith.subi %sign3A_51, %sign3A_54 : i32
      %ne3A = arith.cmpi ne, %sign3A_48, %sign3A_55 : i32
      %rem3A = arith.remsi %scan3A_41, %jit3A : i32
      %ne3A_56 = arith.constant 0 : i32
      %ne3A_57 = arith.cmpi ne, %rem3A, %ne3A_56 : i32
      %and3A = arith.andi %ne3A, %ne3A_57 : i1
      %sub3A = arith.constant 1 : i32
      %sub3A_58 = arith.subi %div3A, %sub3A : i32
      %select_n3A = arith.select %and3A, %sub3A_58, %div3A : i32
      %jit3A_59 = arith.constant 8 : i32
      %eq3A = arith.constant 0 : i32
      %eq3A_60 = arith.cmpi eq, %jit3A_59, %eq3A : i32
      %jit3A_61 = arith.constant 1 : i32
      %select_n3A_62 = arith.select %eq3A_60, %jit3A_61, %jit3A_59 : i32
      %rem3A_63 = arith.remsi %scan3A_41, %select_n3A_62 : i32
      %ne3A_64 = arith.constant 0 : i32
      %ne3A_65 = arith.cmpi ne, %rem3A_63, %ne3A_64 : i32
      %lt3A = arith.constant 0 : i32
      %lt3A_66 = arith.cmpi slt, %rem3A_63, %lt3A : i32
      %lt3A_67 = arith.constant 0 : i32
      %lt3A_68 = arith.cmpi slt, %select_n3A_62, %lt3A_67 : i32
      %ne3A_69 = arith.xori %lt3A_66, %lt3A_68 : i1
      %and3A_70 = arith.andi %ne3A_69, %ne3A_65 : i1
      %add3A_71 = arith.addi %rem3A_63, %select_n3A_62 : i32
      %select_n3A_72 = arith.select %and3A_70, %add3A_71, %rem3A_63 : i32
      %mul3A_73 = arith.constant 16 : i32
      %mul3A_74 = arith.muli %select_n3A_72, %mul3A_73 : i32
      %swap3A = arith.index_cast %select_n3A : i32 to index
      %swap3A_75 = arith.index_cast %mul3A_74 : i32 to index
      %swap3A_76 = tpu.vector_load %arg5[%swap3A, %swap3A_75] {strides = array<i32>} : memref<128x128xf32, #tpu.memory_space<vmem>>, vector<1x16xf32>,
      %swap3A_77 = vector.shape_cast %swap3A_76 : vector<1x16xf32> to vector<16xf32>
      %swap3A_78 = vector.shape_cast %broadcast_in_dim3A_0 : vector<16xf32> to vector<1x16xf32>
      tpu.vector_store %arg5[%swap3A, %swap3A_75], %swap3A_78 {strides = array<i32>} : memref<128x128xf32, #tpu.memory_space<vmem>>, vector<1x16xf32>,
      %scan3A_79 = arith.constant 0 : i32
      scf.yield %scan3A_79 : i32
    }
    %scan3A_8 = arith.constant 1024 : i32
    %scan3A_9 = arith.constant 0 : i32
    %scan3A_10 = arith.constant 0 : i32
    %scan3A_11 = arith.constant 5 : i32
    %scan3A_12 = arith.addi %scan3A_10, %scan3A_11 : i32
    %scan3A_13 = arith.constant 1 : i32
    %scan3A_14 = scf.for %scan3A_41 = %scan3A_10 to %scan3A_12 step %scan3A_13 iter_args(%scan3A_42 = %scan3A_9) -> (i32)  : i32 {
      %mul3A_43 = arith.constant 640 : i32
      %mul3A_44 = arith.muli %arg1, %mul3A_43 : i32
      %mul3A_45 = arith.constant 128 : i32
      %mul3A_46 = arith.muli %scan3A_41, %mul3A_45 : i32
      %add3A_47 = arith.addi %mul3A_44, %mul3A_46 : i32
      "tpu.region"() ({
        %run_scoped3A = tpu.sem_alloc : memref<!tpu.dma_semaphore, #tpu.memory_space<semaphore_mem>>
        %dma_start3A = arith.constant 0 : i32
        %dma_start3A_49 = arith.constant 0 : i32
        %dma_start3A_50 = tpu.memref_slice %arg5[%dma_start3A, %dma_start3A_49] : memref<128x128xf32, #tpu.memory_space<vmem>> -> memref<128x128xf32, #tpu.memory_space<vmem>>
        %dma_start3A_51 = arith.constant 0 : i32
        %dma_start3A_52 = tpu.memref_slice %arg6[%add3A_47, %dma_start3A_51] : memref<10240x128xf32, #tpu.memory_space<vmem_shared>> -> memref<128x128xf32, #tpu.memory_space<vmem_shared>>
        %dma_start3A_53 = arith.constant 0 : i32
        %dma_start3A_54 = tpu.memref_slice %arg6[%add3A_47, %dma_start3A_53] : memref<10240x128xf32, #tpu.memory_space<vmem_shared>> -> memref<128x128xf32, #tpu.memory_space<vmem_shared>>
        %dma_start3A_55 = arith.constant 0 : i32
        %dma_start3A_56 = arith.constant 0 : i32
        %dma_start3A_57 = tpu.memref_slice %arg5[%dma_start3A_55, %dma_start3A_56] : memref<128x128xf32, #tpu.memory_space<vmem>> -> memref<128x128xf32, #tpu.memory_space<vmem>>
        tpu.enqueue_dma source(%dma_start3A_57 : memref<128x128xf32, #tpu.memory_space<vmem>>) target(%dma_start3A_54 : memref<128x128xf32, #tpu.memory_space<vmem_shared>>) target_semaphore(%run_scoped3A : memref<!tpu.dma_semaphore, #tpu.memory_space<semaphore_mem>>)
        %dma_wait3A = arith.constant 0 : i32
        %dma_wait3A_58 = arith.constant 0 : i32
        %dma_wait3A_59 = tpu.memref_slice %arg5[%dma_wait3A, %dma_wait3A_58] : memref<128x128xf32, #tpu.memory_space<vmem>> -> memref<128x128xf32, #tpu.memory_space<vmem>>
        %dma_wait3A_60 = arith.constant 0 : i32
        %dma_wait3A_61 = tpu.memref_slice %arg6[%add3A_47, %dma_wait3A_60] : memref<10240x128xf32, #tpu.memory_space<vmem_shared>> -> memref<128x128xf32, #tpu.memory_space<vmem_shared>>
        %dma_wait3A_62 = arith.constant 0 : i32
        %dma_wait3A_63 = tpu.memref_slice %arg6[%add3A_47, %dma_wait3A_62] : memref<10240x128xf32, #tpu.memory_space<vmem_shared>> -> memref<128x128xf32, #tpu.memory_space<vmem_shared>>
        %dma_wait3A_64 = arith.constant 0 : i32
        %dma_wait3A_65 = arith.constant 0 : i32
        %dma_wait3A_66 = tpu.memref_slice %arg5[%dma_wait3A_64, %dma_wait3A_65] : memref<128x128xf32, #tpu.memory_space<vmem>> -> memref<128x128xf32, #tpu.memory_space<vmem>>
        tpu.wait_dma2 semaphore(%run_scoped3A : memref<!tpu.dma_semaphore, #tpu.memory_space<semaphore_mem>>) src(%dma_wait3A_66 : memref<128x128xf32, #tpu.memory_space<vmem>>) dst(%dma_wait3A_63 : memref<128x128xf32, #tpu.memory_space<vmem_shared>>)
        tpu.yield
      }) : () -> ()
      %scan3A_48 = arith.constant 0 : i32
      scf.yield %scan3A_48 : i32
    }
    %scan3A_15 = arith.constant 5 : i32
    %scan3A_16 = arith.constant 0 : i32
    %scan3A_17 = arith.constant 0 : i32
    %scan3A_18 = arith.constant 1024 : i32
    %scan3A_19 = arith.addi %scan3A_17, %scan3A_18 : i32
    %scan3A_20 = arith.constant 1 : i32
    %scan3A_21 = scf.for %scan3A_41 = %scan3A_17 to %scan3A_19 step %scan3A_20 iter_args(%scan3A_42 = %scan3A_16) -> (i32)  : i32 {
      %jit3A = arith.constant 8 : i32
      %div3A = arith.divsi %scan3A_41, %jit3A : i32
      %sign3A = arith.constant 0 : i32
      %sign3A_43 = arith.cmpi sgt, %scan3A_41, %sign3A : i32
      %sign3A_44 = arith.extui %sign3A_43 : i1 to i32
      %sign3A_45 = arith.constant 0 : i32
      %sign3A_46 = arith.cmpi slt, %scan3A_41, %sign3A_45 : i32
      %sign3A_47 = arith.extui %sign3A_46 : i1 to i32
      %sign3A_48 = arith.subi %sign3A_44, %sign3A_47 : i32
      %sign3A_49 = arith.constant 0 : i32
      %sign3A_50 = arith.cmpi sgt, %jit3A, %sign3A_49 : i32
      %sign3A_51 = arith.extui %sign3A_50 : i1 to i32
      %sign3A_52 = arith.constant 0 : i32
      %sign3A_53 = arith.cmpi slt, %jit3A, %sign3A_52 : i32
      %sign3A_54 = arith.extui %sign3A_53 : i1 to i32
      %sign3A_55 = arith.subi %sign3A_51, %sign3A_54 : i32
      %ne3A = arith.cmpi ne, %sign3A_48, %sign3A_55 : i32
      %rem3A = arith.remsi %scan3A_41, %jit3A : i32
      %ne3A_56 = arith.constant 0 : i32
      %ne3A_57 = arith.cmpi ne, %rem3A, %ne3A_56 : i32
      %and3A = arith.andi %ne3A, %ne3A_57 : i1
      %sub3A = arith.constant 1 : i32
      %sub3A_58 = arith.subi %div3A, %sub3A : i32
      %select_n3A = arith.select %and3A, %sub3A_58, %div3A : i32
      %jit3A_59 = arith.constant 8 : i32
      %eq3A = arith.constant 0 : i32
      %eq3A_60 = arith.cmpi eq, %jit3A_59, %eq3A : i32
      %jit3A_61 = arith.constant 1 : i32
      %select_n3A_62 = arith.select %eq3A_60, %jit3A_61, %jit3A_59 : i32
      %rem3A_63 = arith.remsi %scan3A_41, %select_n3A_62 : i32
      %ne3A_64 = arith.constant 0 : i32
      %ne3A_65 = arith.cmpi ne, %rem3A_63, %ne3A_64 : i32
      %lt3A = arith.constant 0 : i32
      %lt3A_66 = arith.cmpi slt, %rem3A_63, %lt3A : i32
      %lt3A_67 = arith.constant 0 : i32
      %lt3A_68 = arith.cmpi slt, %select_n3A_62, %lt3A_67 : i32
      %ne3A_69 = arith.xori %lt3A_66, %lt3A_68 : i1
      %and3A_70 = arith.andi %ne3A_69, %ne3A_65 : i1
      %add3A_71 = arith.addi %rem3A_63, %select_n3A_62 : i32
      %select_n3A_72 = arith.select %and3A_70, %add3A_71, %rem3A_63 : i32
      %mul3A_73 = arith.constant 16 : i32
      %mul3A_74 = arith.muli %select_n3A_72, %mul3A_73 : i32
      %swap3A = arith.index_cast %select_n3A : i32 to index
      %swap3A_75 = arith.index_cast %mul3A_74 : i32 to index
      %swap3A_76 = tpu.vector_load %arg5[%swap3A, %swap3A_75] {strides = array<i32>} : memref<128x128xf32, #tpu.memory_space<vmem>>, vector<1x16xf32>,
      %swap3A_77 = vector.shape_cast %swap3A_76 : vector<1x16xf32> to vector<16xf32>
      %swap3A_78 = vector.shape_cast %broadcast_in_dim3A_2 : vector<16xf32> to vector<1x16xf32>
      tpu.vector_store %arg5[%swap3A, %swap3A_75], %swap3A_78 {strides = array<i32>} : memref<128x128xf32, #tpu.memory_space<vmem>>, vector<1x16xf32>,
      %scan3A_79 = arith.constant 0 : i32
      scf.yield %scan3A_79 : i32
    }
    %scan3A_22 = arith.constant 1024 : i32
    %barrier3A = arith.constant 0 : index
    tpu.barrier barrier_id(%barrier3A)
    %mul3A = arith.constant 16 : i32
    %mul3A_23 = arith.muli %arg0, %mul3A : i32
    %add3A = arith.addi %mul3A_23, %arg1 : i32
    %mul3A_24 = arith.constant 10112 : i32
    %mul3A_25 = arith.muli %add3A, %mul3A_24 : i32
    %scan3A_26 = arith.constant 0 : i32
    %scan3A_27 = arith.constant 0 : i32
    %scan3A_28 = arith.constant 79 : i32
    %scan3A_29 = arith.addi %scan3A_27, %scan3A_28 : i32
    %scan3A_30 = arith.constant 1 : i32
    %scan3A_31 = scf.for %scan3A_41 = %scan3A_27 to %scan3A_29 step %scan3A_30 iter_args(%scan3A_42 = %scan3A_26) -> (i32)  : i32 {
      %mul3A_43 = arith.constant 128 : i32
      %mul3A_44 = arith.muli %scan3A_41, %mul3A_43 : i32
      %add3A_45 = arith.addi %mul3A_25, %mul3A_44 : i32
      %run_scoped3A = arith.constant 0 : i32
      "tpu.region"() ({
        %run_scoped3A_48 = tpu.sem_alloc : memref<!tpu.dma_semaphore, #tpu.memory_space<semaphore_mem>>
        %dma_start3A = arith.constant 0 : i32
        %dma_start3A_49 = tpu.memref_slice %arg4[%run_scoped3A, %dma_start3A] : memref<1x128xi32, #tpu.memory_space<vmem>> -> memref<1x128xi32, #tpu.memory_space<vmem>>
        %dma_start3A_50 = tpu.memref_squeeze %dma_start3A_49 : memref<1x128xi32, #tpu.memory_space<vmem>> -> memref<128xi32, #tpu.memory_space<vmem>>
        %dma_start3A_51 = tpu.memref_slice %arg2[%add3A_45] : memref<323584xi32, #tpu.memory_space<hbm>> -> memref<128xi32, #tpu.memory_space<hbm>>
        %dma_start3A_52 = arith.constant 0 : i32
        %dma_start3A_53 = tpu.memref_slice %arg4[%run_scoped3A, %dma_start3A_52] : memref<1x128xi32, #tpu.memory_space<vmem>> -> memref<1x128xi32, #tpu.memory_space<vmem>>
        %dma_start3A_54 = tpu.memref_squeeze %dma_start3A_53 : memref<1x128xi32, #tpu.memory_space<vmem>> -> memref<128xi32, #tpu.memory_space<vmem>>
        %dma_start3A_55 = tpu.memref_slice %arg2[%add3A_45] : memref<323584xi32, #tpu.memory_space<hbm>> -> memref<128xi32, #tpu.memory_space<hbm>>
        tpu.enqueue_dma source(%dma_start3A_55 : memref<128xi32, #tpu.memory_space<hbm>>) target(%dma_start3A_54 : memref<128xi32, #tpu.memory_space<vmem>>) target_semaphore(%run_scoped3A_48 : memref<!tpu.dma_semaphore, #tpu.memory_space<semaphore_mem>>)
        %dma_wait3A = arith.constant 0 : i32
        %dma_wait3A_56 = tpu.memref_slice %arg4[%run_scoped3A, %dma_wait3A] : memref<1x128xi32, #tpu.memory_space<vmem>> -> memref<1x128xi32, #tpu.memory_space<vmem>>
        %dma_wait3A_57 = tpu.memref_squeeze %dma_wait3A_56 : memref<1x128xi32, #tpu.memory_space<vmem>> -> memref<128xi32, #tpu.memory_space<vmem>>
        %dma_wait3A_58 = tpu.memref_slice %arg2[%add3A_45] : memref<323584xi32, #tpu.memory_space<hbm>> -> memref<128xi32, #tpu.memory_space<hbm>>
        %dma_wait3A_59 = arith.constant 0 : i32
        %dma_wait3A_60 = tpu.memref_slice %arg4[%run_scoped3A, %dma_wait3A_59] : memref<1x128xi32, #tpu.memory_space<vmem>> -> memref<1x128xi32, #tpu.memory_space<vmem>>
        %dma_wait3A_61 = tpu.memref_squeeze %dma_wait3A_60 : memref<1x128xi32, #tpu.memory_space<vmem>> -> memref<128xi32, #tpu.memory_space<vmem>>
        %dma_wait3A_62 = tpu.memref_slice %arg2[%add3A_45] : memref<323584xi32, #tpu.memory_space<hbm>> -> memref<128xi32, #tpu.memory_space<hbm>>
        tpu.wait_dma2 semaphore(%run_scoped3A_48 : memref<!tpu.dma_semaphore, #tpu.memory_space<semaphore_mem>>) src(%dma_wait3A_62 : memref<128xi32, #tpu.memory_space<hbm>>) dst(%dma_wait3A_61 : memref<128xi32, #tpu.memory_space<vmem>>)
        tpu.yield
      }) : () -> ()
      %run_scoped3A_46 = arith.constant 0 : i32
      "tpu.region"() ({
        %run_scoped3A_48 = tpu.sem_alloc : memref<!tpu.dma_semaphore, #tpu.memory_space<semaphore_mem>>
        %dma_start3A = arith.constant 0 : i32
        %dma_start3A_49 = tpu.memref_slice %arg4[%run_scoped3A_46, %dma_start3A] : memref<1x128xi32, #tpu.memory_space<vmem>> -> memref<1x128xi32, #tpu.memory_space<vmem>>
        %dma_start3A_50 = tpu.memref_squeeze %dma_start3A_49 : memref<1x128xi32, #tpu.memory_space<vmem>> -> memref<128xi32, #tpu.memory_space<vmem>>
        %dma_start3A_51 = arith.constant 0 : i32
        %dma_start3A_52 = arith.constant 0 : i32
        %dma_start3A_53 = tpu.memref_slice %arg6[%dma_start3A_51, %dma_start3A_52] : memref<10240x128xf32, #tpu.memory_space<vmem_shared>> -> memref<10240x128xf32, #tpu.memory_space<vmem_shared>>
        tpu.enqueue_indirect_dma source(%arg5 : memref<128x128xf32, #tpu.memory_space<vmem>>) target(%dma_start3A_53 : memref<10240x128xf32, #tpu.memory_space<vmem_shared>>) offsets(%dma_start3A_50 : memref<128xi32, #tpu.memory_space<vmem>>) semaphore(%run_scoped3A_48 : memref<!tpu.dma_semaphore, #tpu.memory_space<semaphore_mem>>) {add = true}
        %dma_wait3A = arith.constant 0 : i32
        %dma_wait3A_54 = tpu.memref_slice %arg4[%run_scoped3A_46, %dma_wait3A] : memref<1x128xi32, #tpu.memory_space<vmem>> -> memref<1x128xi32, #tpu.memory_space<vmem>>
        %dma_wait3A_55 = tpu.memref_squeeze %dma_wait3A_54 : memref<1x128xi32, #tpu.memory_space<vmem>> -> memref<128xi32, #tpu.memory_space<vmem>>
        %dma_wait3A_56 = arith.constant 0 : i32
        %dma_wait3A_57 = arith.constant 0 : i32
        %dma_wait3A_58 = tpu.memref_slice %arg6[%dma_wait3A_56, %dma_wait3A_57] : memref<10240x128xf32, #tpu.memory_space<vmem_shared>> -> memref<10240x128xf32, #tpu.memory_space<vmem_shared>>
        tpu.wait_indirect_dma semaphore(%run_scoped3A_48 : memref<!tpu.dma_semaphore, #tpu.memory_space<semaphore_mem>>) src(%arg5 : memref<128x128xf32, #tpu.memory_space<vmem>>) dst(%dma_wait3A_58 : memref<10240x128xf32, #tpu.memory_space<vmem_shared>>)
        tpu.yield
      }) : () -> ()
      %scan3A_47 = arith.constant 0 : i32
      scf.yield %scan3A_47 : i32
    }
    %scan3A_32 = arith.constant 79 : i32
    %barrier3A_33 = arith.constant 0 : index
    tpu.barrier barrier_id(%barrier3A_33)
    %scan3A_34 = arith.constant 0 : i32
    %scan3A_35 = arith.constant 0 : i32
    %scan3A_36 = arith.constant 5 : i32
    %scan3A_37 = arith.addi %scan3A_35, %scan3A_36 : i32
    %scan3A_38 = arith.constant 1 : i32
    %scan3A_39 = scf.for %scan3A_41 = %scan3A_35 to %scan3A_37 step %scan3A_38 iter_args(%scan3A_42 = %scan3A_34) -> (i32)  : i32 {
      %mul3A_43 = arith.constant 640 : i32
      %mul3A_44 = arith.muli %arg1, %mul3A_43 : i32
      %mul3A_45 = arith.constant 128 : i32
      %mul3A_46 = arith.muli %scan3A_41, %mul3A_45 : i32
      %add3A_47 = arith.addi %mul3A_44, %mul3A_46 : i32
      %mul3A_48 = arith.constant 10240 : i32
      %mul3A_49 = arith.muli %arg0, %mul3A_48 : i32
      %mul3A_50 = arith.constant 640 : i32
      %mul3A_51 = arith.muli %arg1, %mul3A_50 : i32
      %add3A_52 = arith.addi %mul3A_49, %mul3A_51 : i32
      %mul3A_53 = arith.constant 128 : i32
      %mul3A_54 = arith.muli %scan3A_41, %mul3A_53 : i32
      %add3A_55 = arith.addi %add3A_52, %mul3A_54 : i32
      "tpu.region"() ({
        %run_scoped3A = tpu.sem_alloc : memref<!tpu.dma_semaphore, #tpu.memory_space<semaphore_mem>>
        %dma_start3A = arith.constant 0 : i32
        %dma_start3A_57 = tpu.memref_slice %arg3[%add3A_55, %dma_start3A] : memref<20480x128xf32, #tpu.memory_space<hbm>> -> memref<128x128xf32, #tpu.memory_space<hbm>>
        %dma_start3A_58 = arith.constant 0 : i32
        %dma_start3A_59 = tpu.memref_slice %arg6[%add3A_47, %dma_start3A_58] : memref<10240x128xf32, #tpu.memory_space<vmem_shared>> -> memref<128x128xf32, #tpu.memory_space<vmem_shared>>
        tpu.enqueue_dma source(%dma_start3A_59 : memref<128x128xf32, #tpu.memory_space<vmem_shared>>) target(%dma_start3A_57 : memref<128x128xf32, #tpu.memory_space<hbm>>) target_semaphore(%run_scoped3A : memref<!tpu.dma_semaphore, #tpu.memory_space<semaphore_mem>>)
        %dma_wait3A = arith.constant 0 : i32
        %dma_wait3A_60 = tpu.memref_slice %arg3[%add3A_55, %dma_wait3A] : memref<20480x128xf32, #tpu.memory_space<hbm>> -> memref<128x128xf32, #tpu.memory_space<hbm>>
        %dma_wait3A_61 = arith.constant 0 : i32
        %dma_wait3A_62 = tpu.memref_slice %arg6[%add3A_47, %dma_wait3A_61] : memref<10240x128xf32, #tpu.memory_space<vmem_shared>> -> memref<128x128xf32, #tpu.memory_space<vmem_shared>>
        tpu.wait_dma2 semaphore(%run_scoped3A : memref<!tpu.dma_semaphore, #tpu.memory_space<semaphore_mem>>) src(%dma_wait3A_62 : memref<128x128xf32, #tpu.memory_space<vmem_shared>>) dst(%dma_wait3A_60 : memref<128x128xf32, #tpu.memory_space<hbm>>)
        tpu.yield
      }) : () -> ()
      %scan3A_56 = arith.constant 0 : i32
      scf.yield %scan3A_56 : i32
    }
    %scan3A_40 = arith.constant 5 : i32
    return
  }
}

#map = affine_map<(d0, d1) -> (0, 0)>
#map1 = affine_map<(d0, d1) -> (0)>
module attributes {stable_mosaic.version = 14 : i64} {
  func.func @agg_kernel(%arg0: i32, %arg1: i32, %arg2: memref<10000x128xf32, #tpu.memory_space<hbm>>, %arg3: memref<323584xi32, #tpu.memory_space<hbm>>, %arg4: memref<323584xi32, #tpu.memory_space<hbm>>, %arg5: memref<20480x128xf32, #tpu.memory_space<hbm>>, %arg6: memref<1x128xi32, #tpu.memory_space<vmem>>, %arg7: memref<1x128xi32, #tpu.memory_space<vmem>>, %arg8: memref<128x128xf32, #tpu.memory_space<vmem>>, %arg9: memref<128x128xf32, #tpu.memory_space<vmem>>, %arg10: memref<10240x128xf32, #tpu.memory_space<vmem_shared>>, %arg11: memref<!tpu.dma_semaphore, #tpu.memory_space<semaphore_mem>>) attributes {dimension_semantics = [#tpu.dimension_semantics<core_parallel>, #tpu.dimension_semantics<subcore_parallel>], iteration_bounds = array<i64: 2, 16>, scalar_prefetch = 0 : i64, scratch_operands = 6 : i64, tpu.core_type = #tpu.core_type<sc_vector_subcore>, window_params = [{transform_indices = #map}, {transform_indices = #map1}, {transform_indices = #map1}, {transform_indices = #map}]} {
    %broadcast_in_dim3A = arith.constant 0.000000e+00 : f32
    %broadcast_in_dim3A_0 = vector.broadcast %broadcast_in_dim3A : f32 to vector<16xf32>
    %scan3A = arith.constant 0 : i32
    %scan3A_1 = arith.constant 0 : i32
    %scan3A_2 = arith.constant 1024 : i32
    %scan3A_3 = arith.addi %scan3A_1, %scan3A_2 : i32
    %scan3A_4 = arith.constant 1 : i32
    %scan3A_5 = scf.for %scan3A_32 = %scan3A_1 to %scan3A_3 step %scan3A_4 iter_args(%scan3A_33 = %scan3A) -> (i32)  : i32 {
      %jit3A = arith.constant 8 : i32
      %div3A = arith.divsi %scan3A_32, %jit3A : i32
      %sign3A = arith.constant 0 : i32
      %sign3A_34 = arith.cmpi sgt, %scan3A_32, %sign3A : i32
      %sign3A_35 = arith.extui %sign3A_34 : i1 to i32
      %sign3A_36 = arith.constant 0 : i32
      %sign3A_37 = arith.cmpi slt, %scan3A_32, %sign3A_36 : i32
      %sign3A_38 = arith.extui %sign3A_37 : i1 to i32
      %sign3A_39 = arith.subi %sign3A_35, %sign3A_38 : i32
      %sign3A_40 = arith.constant 0 : i32
      %sign3A_41 = arith.cmpi sgt, %jit3A, %sign3A_40 : i32
      %sign3A_42 = arith.extui %sign3A_41 : i1 to i32
      %sign3A_43 = arith.constant 0 : i32
      %sign3A_44 = arith.cmpi slt, %jit3A, %sign3A_43 : i32
      %sign3A_45 = arith.extui %sign3A_44 : i1 to i32
      %sign3A_46 = arith.subi %sign3A_42, %sign3A_45 : i32
      %ne3A = arith.cmpi ne, %sign3A_39, %sign3A_46 : i32
      %rem3A = arith.remsi %scan3A_32, %jit3A : i32
      %ne3A_47 = arith.constant 0 : i32
      %ne3A_48 = arith.cmpi ne, %rem3A, %ne3A_47 : i32
      %and3A = arith.andi %ne3A, %ne3A_48 : i1
      %sub3A = arith.constant 1 : i32
      %sub3A_49 = arith.subi %div3A, %sub3A : i32
      %select_n3A = arith.select %and3A, %sub3A_49, %div3A : i32
      %jit3A_50 = arith.constant 8 : i32
      %eq3A = arith.constant 0 : i32
      %eq3A_51 = arith.cmpi eq, %jit3A_50, %eq3A : i32
      %jit3A_52 = arith.constant 1 : i32
      %select_n3A_53 = arith.select %eq3A_51, %jit3A_52, %jit3A_50 : i32
      %rem3A_54 = arith.remsi %scan3A_32, %select_n3A_53 : i32
      %ne3A_55 = arith.constant 0 : i32
      %ne3A_56 = arith.cmpi ne, %rem3A_54, %ne3A_55 : i32
      %lt3A = arith.constant 0 : i32
      %lt3A_57 = arith.cmpi slt, %rem3A_54, %lt3A : i32
      %lt3A_58 = arith.constant 0 : i32
      %lt3A_59 = arith.cmpi slt, %select_n3A_53, %lt3A_58 : i32
      %ne3A_60 = arith.xori %lt3A_57, %lt3A_59 : i1
      %and3A_61 = arith.andi %ne3A_60, %ne3A_56 : i1
      %add3A_62 = arith.addi %rem3A_54, %select_n3A_53 : i32
      %select_n3A_63 = arith.select %and3A_61, %add3A_62, %rem3A_54 : i32
      %mul3A_64 = arith.constant 16 : i32
      %mul3A_65 = arith.muli %select_n3A_63, %mul3A_64 : i32
      %swap3A = arith.index_cast %select_n3A : i32 to index
      %swap3A_66 = arith.index_cast %mul3A_65 : i32 to index
      %swap3A_67 = tpu.vector_load %arg9[%swap3A, %swap3A_66] {strides = array<i32>} : memref<128x128xf32, #tpu.memory_space<vmem>>, vector<1x16xf32>,
      %swap3A_68 = vector.shape_cast %swap3A_67 : vector<1x16xf32> to vector<16xf32>
      %swap3A_69 = vector.shape_cast %broadcast_in_dim3A_0 : vector<16xf32> to vector<1x16xf32>
      tpu.vector_store %arg9[%swap3A, %swap3A_66], %swap3A_69 {strides = array<i32>} : memref<128x128xf32, #tpu.memory_space<vmem>>, vector<1x16xf32>,
      %scan3A_70 = arith.constant 0 : i32
      scf.yield %scan3A_70 : i32
    }
    %scan3A_6 = arith.constant 1024 : i32
    %scan3A_7 = arith.constant 0 : i32
    %scan3A_8 = arith.constant 0 : i32
    %scan3A_9 = arith.constant 5 : i32
    %scan3A_10 = arith.addi %scan3A_8, %scan3A_9 : i32
    %scan3A_11 = arith.constant 1 : i32
    %scan3A_12 = scf.for %scan3A_32 = %scan3A_8 to %scan3A_10 step %scan3A_11 iter_args(%scan3A_33 = %scan3A_7) -> (i32)  : i32 {
      %mul3A_34 = arith.constant 640 : i32
      %mul3A_35 = arith.muli %arg1, %mul3A_34 : i32
      %mul3A_36 = arith.constant 128 : i32
      %mul3A_37 = arith.muli %scan3A_32, %mul3A_36 : i32
      %add3A_38 = arith.addi %mul3A_35, %mul3A_37 : i32
      "tpu.region"() ({
        %run_scoped3A = tpu.sem_alloc : memref<!tpu.dma_semaphore, #tpu.memory_space<semaphore_mem>>
        %dma_start3A = arith.constant 0 : i32
        %dma_start3A_40 = tpu.memref_slice %arg10[%add3A_38, %dma_start3A] : memref<10240x128xf32, #tpu.memory_space<vmem_shared>> -> memref<128x128xf32, #tpu.memory_space<vmem_shared>>
        %dma_start3A_41 = arith.constant 0 : i32
        %dma_start3A_42 = tpu.memref_slice %arg10[%add3A_38, %dma_start3A_41] : memref<10240x128xf32, #tpu.memory_space<vmem_shared>> -> memref<128x128xf32, #tpu.memory_space<vmem_shared>>
        tpu.enqueue_dma source(%arg9 : memref<128x128xf32, #tpu.memory_space<vmem>>) target(%dma_start3A_42 : memref<128x128xf32, #tpu.memory_space<vmem_shared>>) target_semaphore(%run_scoped3A : memref<!tpu.dma_semaphore, #tpu.memory_space<semaphore_mem>>)
        %dma_wait3A = arith.constant 0 : i32
        %dma_wait3A_43 = tpu.memref_slice %arg10[%add3A_38, %dma_wait3A] : memref<10240x128xf32, #tpu.memory_space<vmem_shared>> -> memref<128x128xf32, #tpu.memory_space<vmem_shared>>
        %dma_wait3A_44 = arith.constant 0 : i32
        %dma_wait3A_45 = tpu.memref_slice %arg10[%add3A_38, %dma_wait3A_44] : memref<10240x128xf32, #tpu.memory_space<vmem_shared>> -> memref<128x128xf32, #tpu.memory_space<vmem_shared>>
        tpu.wait_dma2 semaphore(%run_scoped3A : memref<!tpu.dma_semaphore, #tpu.memory_space<semaphore_mem>>) src(%arg9 : memref<128x128xf32, #tpu.memory_space<vmem>>) dst(%dma_wait3A_45 : memref<128x128xf32, #tpu.memory_space<vmem_shared>>)
        tpu.yield
      }) : () -> ()
      %scan3A_39 = arith.constant 0 : i32
      scf.yield %scan3A_39 : i32
    }
    %scan3A_13 = arith.constant 5 : i32
    %barrier3A = arith.constant 0 : index
    tpu.barrier barrier_id(%barrier3A)
    %mul3A = arith.constant 16 : i32
    %mul3A_14 = arith.muli %arg0, %mul3A : i32
    %add3A = arith.addi %mul3A_14, %arg1 : i32
    %mul3A_15 = arith.constant 10112 : i32
    %mul3A_16 = arith.muli %add3A, %mul3A_15 : i32
    %scan3A_17 = arith.constant 0 : i32
    %scan3A_18 = arith.constant 0 : i32
    %scan3A_19 = arith.constant 79 : i32
    %scan3A_20 = arith.addi %scan3A_18, %scan3A_19 : i32
    %scan3A_21 = arith.constant 1 : i32
    %scan3A_22 = scf.for %scan3A_32 = %scan3A_18 to %scan3A_20 step %scan3A_21 iter_args(%scan3A_33 = %scan3A_17) -> (i32)  : i32 {
      %mul3A_34 = arith.constant 128 : i32
      %mul3A_35 = arith.muli %scan3A_32, %mul3A_34 : i32
      %add3A_36 = arith.addi %mul3A_16, %mul3A_35 : i32
      %run_scoped3A = arith.constant 0 : i32
      "tpu.region"() ({
        %run_scoped3A_55 = tpu.sem_alloc : memref<!tpu.dma_semaphore, #tpu.memory_space<semaphore_mem>>
        %dma_start3A_56 = arith.constant 0 : i32
        %dma_start3A_57 = tpu.memref_slice %arg6[%run_scoped3A, %dma_start3A_56] : memref<1x128xi32, #tpu.memory_space<vmem>> -> memref<1x128xi32, #tpu.memory_space<vmem>>
        %dma_start3A_58 = tpu.memref_squeeze %dma_start3A_57 : memref<1x128xi32, #tpu.memory_space<vmem>> -> memref<128xi32, #tpu.memory_space<vmem>>
        %dma_start3A_59 = tpu.memref_slice %arg3[%add3A_36] : memref<323584xi32, #tpu.memory_space<hbm>> -> memref<128xi32, #tpu.memory_space<hbm>>
        %dma_start3A_60 = arith.constant 0 : i32
        %dma_start3A_61 = tpu.memref_slice %arg6[%run_scoped3A, %dma_start3A_60] : memref<1x128xi32, #tpu.memory_space<vmem>> -> memref<1x128xi32, #tpu.memory_space<vmem>>
        %dma_start3A_62 = tpu.memref_squeeze %dma_start3A_61 : memref<1x128xi32, #tpu.memory_space<vmem>> -> memref<128xi32, #tpu.memory_space<vmem>>
        %dma_start3A_63 = tpu.memref_slice %arg3[%add3A_36] : memref<323584xi32, #tpu.memory_space<hbm>> -> memref<128xi32, #tpu.memory_space<hbm>>
        tpu.enqueue_dma source(%dma_start3A_63 : memref<128xi32, #tpu.memory_space<hbm>>) target(%dma_start3A_62 : memref<128xi32, #tpu.memory_space<vmem>>) target_semaphore(%run_scoped3A_55 : memref<!tpu.dma_semaphore, #tpu.memory_space<semaphore_mem>>)
        %dma_wait3A_64 = arith.constant 0 : i32
        %dma_wait3A_65 = tpu.memref_slice %arg6[%run_scoped3A, %dma_wait3A_64] : memref<1x128xi32, #tpu.memory_space<vmem>> -> memref<1x128xi32, #tpu.memory_space<vmem>>
        %dma_wait3A_66 = tpu.memref_squeeze %dma_wait3A_65 : memref<1x128xi32, #tpu.memory_space<vmem>> -> memref<128xi32, #tpu.memory_space<vmem>>
        %dma_wait3A_67 = tpu.memref_slice %arg3[%add3A_36] : memref<323584xi32, #tpu.memory_space<hbm>> -> memref<128xi32, #tpu.memory_space<hbm>>
        %dma_wait3A_68 = arith.constant 0 : i32
        %dma_wait3A_69 = tpu.memref_slice %arg6[%run_scoped3A, %dma_wait3A_68] : memref<1x128xi32, #tpu.memory_space<vmem>> -> memref<1x128xi32, #tpu.memory_space<vmem>>
        %dma_wait3A_70 = tpu.memref_squeeze %dma_wait3A_69 : memref<1x128xi32, #tpu.memory_space<vmem>> -> memref<128xi32, #tpu.memory_space<vmem>>
        %dma_wait3A_71 = tpu.memref_slice %arg3[%add3A_36] : memref<323584xi32, #tpu.memory_space<hbm>> -> memref<128xi32, #tpu.memory_space<hbm>>
        tpu.wait_dma2 semaphore(%run_scoped3A_55 : memref<!tpu.dma_semaphore, #tpu.memory_space<semaphore_mem>>) src(%dma_wait3A_71 : memref<128xi32, #tpu.memory_space<hbm>>) dst(%dma_wait3A_70 : memref<128xi32, #tpu.memory_space<vmem>>)
        tpu.yield
      }) : () -> ()
      %mul3A_37 = arith.constant 128 : i32
      %mul3A_38 = arith.muli %scan3A_32, %mul3A_37 : i32
      %add3A_39 = arith.addi %mul3A_16, %mul3A_38 : i32
      %run_scoped3A_40 = arith.constant 0 : i32
      "tpu.region"() ({
        %run_scoped3A_55 = tpu.sem_alloc : memref<!tpu.dma_semaphore, #tpu.memory_space<semaphore_mem>>
        %dma_start3A_56 = arith.constant 0 : i32
        %dma_start3A_57 = tpu.memref_slice %arg7[%run_scoped3A_40, %dma_start3A_56] : memref<1x128xi32, #tpu.memory_space<vmem>> -> memref<1x128xi32, #tpu.memory_space<vmem>>
        %dma_start3A_58 = tpu.memref_squeeze %dma_start3A_57 : memref<1x128xi32, #tpu.memory_space<vmem>> -> memref<128xi32, #tpu.memory_space<vmem>>
        %dma_start3A_59 = tpu.memref_slice %arg4[%add3A_39] : memref<323584xi32, #tpu.memory_space<hbm>> -> memref<128xi32, #tpu.memory_space<hbm>>
        %dma_start3A_60 = arith.constant 0 : i32
        %dma_start3A_61 = tpu.memref_slice %arg7[%run_scoped3A_40, %dma_start3A_60] : memref<1x128xi32, #tpu.memory_space<vmem>> -> memref<1x128xi32, #tpu.memory_space<vmem>>
        %dma_start3A_62 = tpu.memref_squeeze %dma_start3A_61 : memref<1x128xi32, #tpu.memory_space<vmem>> -> memref<128xi32, #tpu.memory_space<vmem>>
        %dma_start3A_63 = tpu.memref_slice %arg4[%add3A_39] : memref<323584xi32, #tpu.memory_space<hbm>> -> memref<128xi32, #tpu.memory_space<hbm>>
        tpu.enqueue_dma source(%dma_start3A_63 : memref<128xi32, #tpu.memory_space<hbm>>) target(%dma_start3A_62 : memref<128xi32, #tpu.memory_space<vmem>>) target_semaphore(%run_scoped3A_55 : memref<!tpu.dma_semaphore, #tpu.memory_space<semaphore_mem>>)
        %dma_wait3A_64 = arith.constant 0 : i32
        %dma_wait3A_65 = tpu.memref_slice %arg7[%run_scoped3A_40, %dma_wait3A_64] : memref<1x128xi32, #tpu.memory_space<vmem>> -> memref<1x128xi32, #tpu.memory_space<vmem>>
        %dma_wait3A_66 = tpu.memref_squeeze %dma_wait3A_65 : memref<1x128xi32, #tpu.memory_space<vmem>> -> memref<128xi32, #tpu.memory_space<vmem>>
        %dma_wait3A_67 = tpu.memref_slice %arg4[%add3A_39] : memref<323584xi32, #tpu.memory_space<hbm>> -> memref<128xi32, #tpu.memory_space<hbm>>
        %dma_wait3A_68 = arith.constant 0 : i32
        %dma_wait3A_69 = tpu.memref_slice %arg7[%run_scoped3A_40, %dma_wait3A_68] : memref<1x128xi32, #tpu.memory_space<vmem>> -> memref<1x128xi32, #tpu.memory_space<vmem>>
        %dma_wait3A_70 = tpu.memref_squeeze %dma_wait3A_69 : memref<1x128xi32, #tpu.memory_space<vmem>> -> memref<128xi32, #tpu.memory_space<vmem>>
        %dma_wait3A_71 = tpu.memref_slice %arg4[%add3A_39] : memref<323584xi32, #tpu.memory_space<hbm>> -> memref<128xi32, #tpu.memory_space<hbm>>
        tpu.wait_dma2 semaphore(%run_scoped3A_55 : memref<!tpu.dma_semaphore, #tpu.memory_space<semaphore_mem>>) src(%dma_wait3A_71 : memref<128xi32, #tpu.memory_space<hbm>>) dst(%dma_wait3A_70 : memref<128xi32, #tpu.memory_space<vmem>>)
        tpu.yield
      }) : () -> ()
      %dma_start3A = arith.constant 0 : i32
      %dma_start3A_41 = arith.constant 0 : i32
      %dma_start3A_42 = tpu.memref_slice %arg6[%dma_start3A, %dma_start3A_41] : memref<1x128xi32, #tpu.memory_space<vmem>> -> memref<1x128xi32, #tpu.memory_space<vmem>>
      %dma_start3A_43 = tpu.memref_squeeze %dma_start3A_42 : memref<1x128xi32, #tpu.memory_space<vmem>> -> memref<128xi32, #tpu.memory_space<vmem>>
      %dma_start3A_44 = arith.constant 0 : i32
      %dma_start3A_45 = arith.constant 0 : i32
      %dma_start3A_46 = tpu.memref_slice %arg2[%dma_start3A_44, %dma_start3A_45] : memref<10000x128xf32, #tpu.memory_space<hbm>> -> memref<10000x128xf32, #tpu.memory_space<hbm>>
      tpu.enqueue_indirect_dma source(%dma_start3A_46 : memref<10000x128xf32, #tpu.memory_space<hbm>>) target(%arg8 : memref<128x128xf32, #tpu.memory_space<vmem>>) offsets(%dma_start3A_43 : memref<128xi32, #tpu.memory_space<vmem>>) semaphore(%arg11 : memref<!tpu.dma_semaphore, #tpu.memory_space<semaphore_mem>>)
      %dma_wait3A = arith.constant 0 : i32
      %dma_wait3A_47 = arith.constant 0 : i32
      %dma_wait3A_48 = tpu.memref_slice %arg6[%dma_wait3A, %dma_wait3A_47] : memref<1x128xi32, #tpu.memory_space<vmem>> -> memref<1x128xi32, #tpu.memory_space<vmem>>
      %dma_wait3A_49 = tpu.memref_squeeze %dma_wait3A_48 : memref<1x128xi32, #tpu.memory_space<vmem>> -> memref<128xi32, #tpu.memory_space<vmem>>
      %dma_wait3A_50 = arith.constant 0 : i32
      %dma_wait3A_51 = arith.constant 0 : i32
      %dma_wait3A_52 = tpu.memref_slice %arg2[%dma_wait3A_50, %dma_wait3A_51] : memref<10000x128xf32, #tpu.memory_space<hbm>> -> memref<10000x128xf32, #tpu.memory_space<hbm>>
      tpu.wait_indirect_dma semaphore(%arg11 : memref<!tpu.dma_semaphore, #tpu.memory_space<semaphore_mem>>) src(%dma_wait3A_52 : memref<10000x128xf32, #tpu.memory_space<hbm>>) dst(%arg8 : memref<128x128xf32, #tpu.memory_space<vmem>>)
      %run_scoped3A_53 = arith.constant 0 : i32
      "tpu.region"() ({
        %run_scoped3A_55 = tpu.sem_alloc : memref<!tpu.dma_semaphore, #tpu.memory_space<semaphore_mem>>
        %dma_start3A_56 = arith.constant 0 : i32
        %dma_start3A_57 = tpu.memref_slice %arg7[%run_scoped3A_53, %dma_start3A_56] : memref<1x128xi32, #tpu.memory_space<vmem>> -> memref<1x128xi32, #tpu.memory_space<vmem>>
        %dma_start3A_58 = tpu.memref_squeeze %dma_start3A_57 : memref<1x128xi32, #tpu.memory_space<vmem>> -> memref<128xi32, #tpu.memory_space<vmem>>
        %dma_start3A_59 = arith.constant 0 : i32
        %dma_start3A_60 = arith.constant 0 : i32
        %dma_start3A_61 = tpu.memref_slice %arg10[%dma_start3A_59, %dma_start3A_60] : memref<10240x128xf32, #tpu.memory_space<vmem_shared>> -> memref<10240x128xf32, #tpu.memory_space<vmem_shared>>
        tpu.enqueue_indirect_dma source(%arg8 : memref<128x128xf32, #tpu.memory_space<vmem>>) target(%dma_start3A_61 : memref<10240x128xf32, #tpu.memory_space<vmem_shared>>) offsets(%dma_start3A_58 : memref<128xi32, #tpu.memory_space<vmem>>) semaphore(%run_scoped3A_55 : memref<!tpu.dma_semaphore, #tpu.memory_space<semaphore_mem>>) {add = true}
        %dma_wait3A_62 = arith.constant 0 : i32
        %dma_wait3A_63 = tpu.memref_slice %arg7[%run_scoped3A_53, %dma_wait3A_62] : memref<1x128xi32, #tpu.memory_space<vmem>> -> memref<1x128xi32, #tpu.memory_space<vmem>>
        %dma_wait3A_64 = tpu.memref_squeeze %dma_wait3A_63 : memref<1x128xi32, #tpu.memory_space<vmem>> -> memref<128xi32, #tpu.memory_space<vmem>>
        %dma_wait3A_65 = arith.constant 0 : i32
        %dma_wait3A_66 = arith.constant 0 : i32
        %dma_wait3A_67 = tpu.memref_slice %arg10[%dma_wait3A_65, %dma_wait3A_66] : memref<10240x128xf32, #tpu.memory_space<vmem_shared>> -> memref<10240x128xf32, #tpu.memory_space<vmem_shared>>
        tpu.wait_indirect_dma semaphore(%run_scoped3A_55 : memref<!tpu.dma_semaphore, #tpu.memory_space<semaphore_mem>>) src(%arg8 : memref<128x128xf32, #tpu.memory_space<vmem>>) dst(%dma_wait3A_67 : memref<10240x128xf32, #tpu.memory_space<vmem_shared>>)
        tpu.yield
      }) : () -> ()
      %scan3A_54 = arith.constant 0 : i32
      scf.yield %scan3A_54 : i32
    }
    %scan3A_23 = arith.constant 79 : i32
    %barrier3A_24 = arith.constant 0 : index
    tpu.barrier barrier_id(%barrier3A_24)
    %scan3A_25 = arith.constant 0 : i32
    %scan3A_26 = arith.constant 0 : i32
    %scan3A_27 = arith.constant 5 : i32
    %scan3A_28 = arith.addi %scan3A_26, %scan3A_27 : i32
    %scan3A_29 = arith.constant 1 : i32
    %scan3A_30 = scf.for %scan3A_32 = %scan3A_26 to %scan3A_28 step %scan3A_29 iter_args(%scan3A_33 = %scan3A_25) -> (i32)  : i32 {
      %mul3A_34 = arith.constant 640 : i32
      %mul3A_35 = arith.muli %arg1, %mul3A_34 : i32
      %mul3A_36 = arith.constant 128 : i32
      %mul3A_37 = arith.muli %scan3A_32, %mul3A_36 : i32
      %add3A_38 = arith.addi %mul3A_35, %mul3A_37 : i32
      %mul3A_39 = arith.constant 10240 : i32
      %mul3A_40 = arith.muli %arg0, %mul3A_39 : i32
      %mul3A_41 = arith.constant 640 : i32
      %mul3A_42 = arith.muli %arg1, %mul3A_41 : i32
      %add3A_43 = arith.addi %mul3A_40, %mul3A_42 : i32
      %mul3A_44 = arith.constant 128 : i32
      %mul3A_45 = arith.muli %scan3A_32, %mul3A_44 : i32
      %add3A_46 = arith.addi %add3A_43, %mul3A_45 : i32
      "tpu.region"() ({
        %run_scoped3A = tpu.sem_alloc : memref<!tpu.dma_semaphore, #tpu.memory_space<semaphore_mem>>
        %dma_start3A = arith.constant 0 : i32
        %dma_start3A_48 = tpu.memref_slice %arg5[%add3A_46, %dma_start3A] : memref<20480x128xf32, #tpu.memory_space<hbm>> -> memref<128x128xf32, #tpu.memory_space<hbm>>
        %dma_start3A_49 = arith.constant 0 : i32
        %dma_start3A_50 = tpu.memref_slice %arg10[%add3A_38, %dma_start3A_49] : memref<10240x128xf32, #tpu.memory_space<vmem_shared>> -> memref<128x128xf32, #tpu.memory_space<vmem_shared>>
        tpu.enqueue_dma source(%dma_start3A_50 : memref<128x128xf32, #tpu.memory_space<vmem_shared>>) target(%dma_start3A_48 : memref<128x128xf32, #tpu.memory_space<hbm>>) target_semaphore(%run_scoped3A : memref<!tpu.dma_semaphore, #tpu.memory_space<semaphore_mem>>)
        %dma_wait3A = arith.constant 0 : i32
        %dma_wait3A_51 = tpu.memref_slice %arg5[%add3A_46, %dma_wait3A] : memref<20480x128xf32, #tpu.memory_space<hbm>> -> memref<128x128xf32, #tpu.memory_space<hbm>>
        %dma_wait3A_52 = arith.constant 0 : i32
        %dma_wait3A_53 = tpu.memref_slice %arg10[%add3A_38, %dma_wait3A_52] : memref<10240x128xf32, #tpu.memory_space<vmem_shared>> -> memref<128x128xf32, #tpu.memory_space<vmem_shared>>
        tpu.wait_dma2 semaphore(%run_scoped3A : memref<!tpu.dma_semaphore, #tpu.memory_space<semaphore_mem>>) src(%dma_wait3A_53 : memref<128x128xf32, #tpu.memory_space<vmem_shared>>) dst(%dma_wait3A_51 : memref<128x128xf32, #tpu.memory_space<hbm>>)
        tpu.yield
      }) : () -> ()
      %scan3A_47 = arith.constant 0 : i32
      scf.yield %scan3A_47 : i32
    }
    %scan3A_31 = arith.constant 5 : i32
    return
  }
}

#map = affine_map<(d0, d1) -> (0, 0)>
#map1 = affine_map<(d0, d1) -> (0)>
module attributes {stable_mosaic.version = 14 : i64} {
  func.func @agg_kernel(%arg0: i32, %arg1: i32, %arg2: memref<10000x128xf32, #tpu.memory_space<hbm>>, %arg3: memref<323584xi32, #tpu.memory_space<hbm>>, %arg4: memref<323584xi32, #tpu.memory_space<hbm>>, %arg5: memref<20480x128xf32, #tpu.memory_space<hbm>>, %arg6: memref<1x128xi32, #tpu.memory_space<vmem>>, %arg7: memref<1x128xi32, #tpu.memory_space<vmem>>, %arg8: memref<128x128xf32, #tpu.memory_space<vmem>>, %arg9: memref<128x128xf32, #tpu.memory_space<vmem>>, %arg10: memref<10240x128xf32, #tpu.memory_space<vmem_shared>>, %arg11: memref<!tpu.dma_semaphore, #tpu.memory_space<semaphore_mem>>) attributes {dimension_semantics = [#tpu.dimension_semantics<core_parallel>, #tpu.dimension_semantics<subcore_parallel>], iteration_bounds = array<i64: 2, 16>, scalar_prefetch = 0 : i64, scratch_operands = 6 : i64, tpu.core_type = #tpu.core_type<sc_vector_subcore>, window_params = [{transform_indices = #map}, {transform_indices = #map1}, {transform_indices = #map1}, {transform_indices = #map}]} {
    %broadcast_in_dim3A = arith.constant 0.000000e+00 : f32
    %broadcast_in_dim3A_0 = vector.broadcast %broadcast_in_dim3A : f32 to vector<16xf32>
    %scan3A = arith.constant 0 : i32
    %scan3A_1 = arith.constant 0 : i32
    %scan3A_2 = arith.constant 1024 : i32
    %scan3A_3 = arith.addi %scan3A_1, %scan3A_2 : i32
    %scan3A_4 = arith.constant 1 : i32
    %scan3A_5 = scf.for %scan3A_32 = %scan3A_1 to %scan3A_3 step %scan3A_4 iter_args(%scan3A_33 = %scan3A) -> (i32)  : i32 {
      %jit3A = arith.constant 8 : i32
      %div3A = arith.divsi %scan3A_32, %jit3A : i32
      %sign3A = arith.constant 0 : i32
      %sign3A_34 = arith.cmpi sgt, %scan3A_32, %sign3A : i32
      %sign3A_35 = arith.extui %sign3A_34 : i1 to i32
      %sign3A_36 = arith.constant 0 : i32
      %sign3A_37 = arith.cmpi slt, %scan3A_32, %sign3A_36 : i32
      %sign3A_38 = arith.extui %sign3A_37 : i1 to i32
      %sign3A_39 = arith.subi %sign3A_35, %sign3A_38 : i32
      %sign3A_40 = arith.constant 0 : i32
      %sign3A_41 = arith.cmpi sgt, %jit3A, %sign3A_40 : i32
      %sign3A_42 = arith.extui %sign3A_41 : i1 to i32
      %sign3A_43 = arith.constant 0 : i32
      %sign3A_44 = arith.cmpi slt, %jit3A, %sign3A_43 : i32
      %sign3A_45 = arith.extui %sign3A_44 : i1 to i32
      %sign3A_46 = arith.subi %sign3A_42, %sign3A_45 : i32
      %ne3A = arith.cmpi ne, %sign3A_39, %sign3A_46 : i32
      %rem3A = arith.remsi %scan3A_32, %jit3A : i32
      %ne3A_47 = arith.constant 0 : i32
      %ne3A_48 = arith.cmpi ne, %rem3A, %ne3A_47 : i32
      %and3A = arith.andi %ne3A, %ne3A_48 : i1
      %sub3A = arith.constant 1 : i32
      %sub3A_49 = arith.subi %div3A, %sub3A : i32
      %select_n3A = arith.select %and3A, %sub3A_49, %div3A : i32
      %jit3A_50 = arith.constant 8 : i32
      %eq3A = arith.constant 0 : i32
      %eq3A_51 = arith.cmpi eq, %jit3A_50, %eq3A : i32
      %jit3A_52 = arith.constant 1 : i32
      %select_n3A_53 = arith.select %eq3A_51, %jit3A_52, %jit3A_50 : i32
      %rem3A_54 = arith.remsi %scan3A_32, %select_n3A_53 : i32
      %ne3A_55 = arith.constant 0 : i32
      %ne3A_56 = arith.cmpi ne, %rem3A_54, %ne3A_55 : i32
      %lt3A = arith.constant 0 : i32
      %lt3A_57 = arith.cmpi slt, %rem3A_54, %lt3A : i32
      %lt3A_58 = arith.constant 0 : i32
      %lt3A_59 = arith.cmpi slt, %select_n3A_53, %lt3A_58 : i32
      %ne3A_60 = arith.xori %lt3A_57, %lt3A_59 : i1
      %and3A_61 = arith.andi %ne3A_60, %ne3A_56 : i1
      %add3A_62 = arith.addi %rem3A_54, %select_n3A_53 : i32
      %select_n3A_63 = arith.select %and3A_61, %add3A_62, %rem3A_54 : i32
      %mul3A_64 = arith.constant 16 : i32
      %mul3A_65 = arith.muli %select_n3A_63, %mul3A_64 : i32
      %swap3A = arith.index_cast %select_n3A : i32 to index
      %swap3A_66 = arith.index_cast %mul3A_65 : i32 to index
      %swap3A_67 = tpu.vector_load %arg9[%swap3A, %swap3A_66] {strides = array<i32>} : memref<128x128xf32, #tpu.memory_space<vmem>>, vector<1x16xf32>,
      %swap3A_68 = vector.shape_cast %swap3A_67 : vector<1x16xf32> to vector<16xf32>
      %swap3A_69 = vector.shape_cast %broadcast_in_dim3A_0 : vector<16xf32> to vector<1x16xf32>
      tpu.vector_store %arg9[%swap3A, %swap3A_66], %swap3A_69 {strides = array<i32>} : memref<128x128xf32, #tpu.memory_space<vmem>>, vector<1x16xf32>,
      %scan3A_70 = arith.constant 0 : i32
      scf.yield %scan3A_70 : i32
    }
    %scan3A_6 = arith.constant 1024 : i32
    %scan3A_7 = arith.constant 0 : i32
    %scan3A_8 = arith.constant 0 : i32
    %scan3A_9 = arith.constant 5 : i32
    %scan3A_10 = arith.addi %scan3A_8, %scan3A_9 : i32
    %scan3A_11 = arith.constant 1 : i32
    %scan3A_12 = scf.for %scan3A_32 = %scan3A_8 to %scan3A_10 step %scan3A_11 iter_args(%scan3A_33 = %scan3A_7) -> (i32)  : i32 {
      %mul3A_34 = arith.constant 640 : i32
      %mul3A_35 = arith.muli %arg1, %mul3A_34 : i32
      %mul3A_36 = arith.constant 128 : i32
      %mul3A_37 = arith.muli %scan3A_32, %mul3A_36 : i32
      %add3A_38 = arith.addi %mul3A_35, %mul3A_37 : i32
      "tpu.region"() ({
        %run_scoped3A = tpu.sem_alloc : memref<!tpu.dma_semaphore, #tpu.memory_space<semaphore_mem>>
        %dma_start3A = arith.constant 0 : i32
        %dma_start3A_40 = tpu.memref_slice %arg10[%add3A_38, %dma_start3A] : memref<10240x128xf32, #tpu.memory_space<vmem_shared>> -> memref<128x128xf32, #tpu.memory_space<vmem_shared>>
        %dma_start3A_41 = arith.constant 0 : i32
        %dma_start3A_42 = tpu.memref_slice %arg10[%add3A_38, %dma_start3A_41] : memref<10240x128xf32, #tpu.memory_space<vmem_shared>> -> memref<128x128xf32, #tpu.memory_space<vmem_shared>>
        tpu.enqueue_dma source(%arg9 : memref<128x128xf32, #tpu.memory_space<vmem>>) target(%dma_start3A_42 : memref<128x128xf32, #tpu.memory_space<vmem_shared>>) target_semaphore(%run_scoped3A : memref<!tpu.dma_semaphore, #tpu.memory_space<semaphore_mem>>)
        %dma_wait3A = arith.constant 0 : i32
        %dma_wait3A_43 = tpu.memref_slice %arg10[%add3A_38, %dma_wait3A] : memref<10240x128xf32, #tpu.memory_space<vmem_shared>> -> memref<128x128xf32, #tpu.memory_space<vmem_shared>>
        %dma_wait3A_44 = arith.constant 0 : i32
        %dma_wait3A_45 = tpu.memref_slice %arg10[%add3A_38, %dma_wait3A_44] : memref<10240x128xf32, #tpu.memory_space<vmem_shared>> -> memref<128x128xf32, #tpu.memory_space<vmem_shared>>
        tpu.wait_dma2 semaphore(%run_scoped3A : memref<!tpu.dma_semaphore, #tpu.memory_space<semaphore_mem>>) src(%arg9 : memref<128x128xf32, #tpu.memory_space<vmem>>) dst(%dma_wait3A_45 : memref<128x128xf32, #tpu.memory_space<vmem_shared>>)
        tpu.yield
      }) : () -> ()
      %scan3A_39 = arith.constant 0 : i32
      scf.yield %scan3A_39 : i32
    }
    %scan3A_13 = arith.constant 5 : i32
    %barrier3A = arith.constant 0 : index
    tpu.barrier barrier_id(%barrier3A)
    %mul3A = arith.constant 16 : i32
    %mul3A_14 = arith.muli %arg0, %mul3A : i32
    %add3A = arith.addi %mul3A_14, %arg1 : i32
    %mul3A_15 = arith.constant 10112 : i32
    %mul3A_16 = arith.muli %add3A, %mul3A_15 : i32
    %scan3A_17 = arith.constant 0 : i32
    %scan3A_18 = arith.constant 0 : i32
    %scan3A_19 = arith.constant 79 : i32
    %scan3A_20 = arith.addi %scan3A_18, %scan3A_19 : i32
    %scan3A_21 = arith.constant 1 : i32
    %scan3A_22 = scf.for %scan3A_32 = %scan3A_18 to %scan3A_20 step %scan3A_21 iter_args(%scan3A_33 = %scan3A_17) -> (i32)  : i32 {
      %mul3A_34 = arith.constant 128 : i32
      %mul3A_35 = arith.muli %scan3A_32, %mul3A_34 : i32
      %add3A_36 = arith.addi %mul3A_16, %mul3A_35 : i32
      %run_scoped3A = arith.constant 0 : i32
      "tpu.region"() ({
        %run_scoped3A_55 = tpu.sem_alloc : memref<!tpu.dma_semaphore, #tpu.memory_space<semaphore_mem>>
        %dma_start3A_56 = arith.constant 0 : i32
        %dma_start3A_57 = tpu.memref_slice %arg6[%run_scoped3A, %dma_start3A_56] : memref<1x128xi32, #tpu.memory_space<vmem>> -> memref<1x128xi32, #tpu.memory_space<vmem>>
        %dma_start3A_58 = tpu.memref_squeeze %dma_start3A_57 : memref<1x128xi32, #tpu.memory_space<vmem>> -> memref<128xi32, #tpu.memory_space<vmem>>
        %dma_start3A_59 = tpu.memref_slice %arg3[%add3A_36] : memref<323584xi32, #tpu.memory_space<hbm>> -> memref<128xi32, #tpu.memory_space<hbm>>
        %dma_start3A_60 = arith.constant 0 : i32
        %dma_start3A_61 = tpu.memref_slice %arg6[%run_scoped3A, %dma_start3A_60] : memref<1x128xi32, #tpu.memory_space<vmem>> -> memref<1x128xi32, #tpu.memory_space<vmem>>
        %dma_start3A_62 = tpu.memref_squeeze %dma_start3A_61 : memref<1x128xi32, #tpu.memory_space<vmem>> -> memref<128xi32, #tpu.memory_space<vmem>>
        %dma_start3A_63 = tpu.memref_slice %arg3[%add3A_36] : memref<323584xi32, #tpu.memory_space<hbm>> -> memref<128xi32, #tpu.memory_space<hbm>>
        tpu.enqueue_dma source(%dma_start3A_63 : memref<128xi32, #tpu.memory_space<hbm>>) target(%dma_start3A_62 : memref<128xi32, #tpu.memory_space<vmem>>) target_semaphore(%run_scoped3A_55 : memref<!tpu.dma_semaphore, #tpu.memory_space<semaphore_mem>>)
        %dma_wait3A_64 = arith.constant 0 : i32
        %dma_wait3A_65 = tpu.memref_slice %arg6[%run_scoped3A, %dma_wait3A_64] : memref<1x128xi32, #tpu.memory_space<vmem>> -> memref<1x128xi32, #tpu.memory_space<vmem>>
        %dma_wait3A_66 = tpu.memref_squeeze %dma_wait3A_65 : memref<1x128xi32, #tpu.memory_space<vmem>> -> memref<128xi32, #tpu.memory_space<vmem>>
        %dma_wait3A_67 = tpu.memref_slice %arg3[%add3A_36] : memref<323584xi32, #tpu.memory_space<hbm>> -> memref<128xi32, #tpu.memory_space<hbm>>
        %dma_wait3A_68 = arith.constant 0 : i32
        %dma_wait3A_69 = tpu.memref_slice %arg6[%run_scoped3A, %dma_wait3A_68] : memref<1x128xi32, #tpu.memory_space<vmem>> -> memref<1x128xi32, #tpu.memory_space<vmem>>
        %dma_wait3A_70 = tpu.memref_squeeze %dma_wait3A_69 : memref<1x128xi32, #tpu.memory_space<vmem>> -> memref<128xi32, #tpu.memory_space<vmem>>
        %dma_wait3A_71 = tpu.memref_slice %arg3[%add3A_36] : memref<323584xi32, #tpu.memory_space<hbm>> -> memref<128xi32, #tpu.memory_space<hbm>>
        tpu.wait_dma2 semaphore(%run_scoped3A_55 : memref<!tpu.dma_semaphore, #tpu.memory_space<semaphore_mem>>) src(%dma_wait3A_71 : memref<128xi32, #tpu.memory_space<hbm>>) dst(%dma_wait3A_70 : memref<128xi32, #tpu.memory_space<vmem>>)
        tpu.yield
      }) : () -> ()
      %mul3A_37 = arith.constant 128 : i32
      %mul3A_38 = arith.muli %scan3A_32, %mul3A_37 : i32
      %add3A_39 = arith.addi %mul3A_16, %mul3A_38 : i32
      %run_scoped3A_40 = arith.constant 0 : i32
      "tpu.region"() ({
        %run_scoped3A_55 = tpu.sem_alloc : memref<!tpu.dma_semaphore, #tpu.memory_space<semaphore_mem>>
        %dma_start3A_56 = arith.constant 0 : i32
        %dma_start3A_57 = tpu.memref_slice %arg7[%run_scoped3A_40, %dma_start3A_56] : memref<1x128xi32, #tpu.memory_space<vmem>> -> memref<1x128xi32, #tpu.memory_space<vmem>>
        %dma_start3A_58 = tpu.memref_squeeze %dma_start3A_57 : memref<1x128xi32, #tpu.memory_space<vmem>> -> memref<128xi32, #tpu.memory_space<vmem>>
        %dma_start3A_59 = tpu.memref_slice %arg4[%add3A_39] : memref<323584xi32, #tpu.memory_space<hbm>> -> memref<128xi32, #tpu.memory_space<hbm>>
        %dma_start3A_60 = arith.constant 0 : i32
        %dma_start3A_61 = tpu.memref_slice %arg7[%run_scoped3A_40, %dma_start3A_60] : memref<1x128xi32, #tpu.memory_space<vmem>> -> memref<1x128xi32, #tpu.memory_space<vmem>>
        %dma_start3A_62 = tpu.memref_squeeze %dma_start3A_61 : memref<1x128xi32, #tpu.memory_space<vmem>> -> memref<128xi32, #tpu.memory_space<vmem>>
        %dma_start3A_63 = tpu.memref_slice %arg4[%add3A_39] : memref<323584xi32, #tpu.memory_space<hbm>> -> memref<128xi32, #tpu.memory_space<hbm>>
        tpu.enqueue_dma source(%dma_start3A_63 : memref<128xi32, #tpu.memory_space<hbm>>) target(%dma_start3A_62 : memref<128xi32, #tpu.memory_space<vmem>>) target_semaphore(%run_scoped3A_55 : memref<!tpu.dma_semaphore, #tpu.memory_space<semaphore_mem>>)
        %dma_wait3A_64 = arith.constant 0 : i32
        %dma_wait3A_65 = tpu.memref_slice %arg7[%run_scoped3A_40, %dma_wait3A_64] : memref<1x128xi32, #tpu.memory_space<vmem>> -> memref<1x128xi32, #tpu.memory_space<vmem>>
        %dma_wait3A_66 = tpu.memref_squeeze %dma_wait3A_65 : memref<1x128xi32, #tpu.memory_space<vmem>> -> memref<128xi32, #tpu.memory_space<vmem>>
        %dma_wait3A_67 = tpu.memref_slice %arg4[%add3A_39] : memref<323584xi32, #tpu.memory_space<hbm>> -> memref<128xi32, #tpu.memory_space<hbm>>
        %dma_wait3A_68 = arith.constant 0 : i32
        %dma_wait3A_69 = tpu.memref_slice %arg7[%run_scoped3A_40, %dma_wait3A_68] : memref<1x128xi32, #tpu.memory_space<vmem>> -> memref<1x128xi32, #tpu.memory_space<vmem>>
        %dma_wait3A_70 = tpu.memref_squeeze %dma_wait3A_69 : memref<1x128xi32, #tpu.memory_space<vmem>> -> memref<128xi32, #tpu.memory_space<vmem>>
        %dma_wait3A_71 = tpu.memref_slice %arg4[%add3A_39] : memref<323584xi32, #tpu.memory_space<hbm>> -> memref<128xi32, #tpu.memory_space<hbm>>
        tpu.wait_dma2 semaphore(%run_scoped3A_55 : memref<!tpu.dma_semaphore, #tpu.memory_space<semaphore_mem>>) src(%dma_wait3A_71 : memref<128xi32, #tpu.memory_space<hbm>>) dst(%dma_wait3A_70 : memref<128xi32, #tpu.memory_space<vmem>>)
        tpu.yield
      }) : () -> ()
      %dma_start3A = arith.constant 0 : i32
      %dma_start3A_41 = arith.constant 0 : i32
      %dma_start3A_42 = tpu.memref_slice %arg6[%dma_start3A, %dma_start3A_41] : memref<1x128xi32, #tpu.memory_space<vmem>> -> memref<1x128xi32, #tpu.memory_space<vmem>>
      %dma_start3A_43 = tpu.memref_squeeze %dma_start3A_42 : memref<1x128xi32, #tpu.memory_space<vmem>> -> memref<128xi32, #tpu.memory_space<vmem>>
      %dma_start3A_44 = arith.constant 0 : i32
      %dma_start3A_45 = arith.constant 0 : i32
      %dma_start3A_46 = tpu.memref_slice %arg2[%dma_start3A_44, %dma_start3A_45] : memref<10000x128xf32, #tpu.memory_space<hbm>> -> memref<10000x128xf32, #tpu.memory_space<hbm>>
      tpu.enqueue_indirect_dma source(%dma_start3A_46 : memref<10000x128xf32, #tpu.memory_space<hbm>>) target(%arg8 : memref<128x128xf32, #tpu.memory_space<vmem>>) offsets(%dma_start3A_43 : memref<128xi32, #tpu.memory_space<vmem>>) semaphore(%arg11 : memref<!tpu.dma_semaphore, #tpu.memory_space<semaphore_mem>>)
      %dma_wait3A = arith.constant 0 : i32
      %dma_wait3A_47 = arith.constant 0 : i32
      %dma_wait3A_48 = tpu.memref_slice %arg6[%dma_wait3A, %dma_wait3A_47] : memref<1x128xi32, #tpu.memory_space<vmem>> -> memref<1x128xi32, #tpu.memory_space<vmem>>
      %dma_wait3A_49 = tpu.memref_squeeze %dma_wait3A_48 : memref<1x128xi32, #tpu.memory_space<vmem>> -> memref<128xi32, #tpu.memory_space<vmem>>
      %dma_wait3A_50 = arith.constant 0 : i32
      %dma_wait3A_51 = arith.constant 0 : i32
      %dma_wait3A_52 = tpu.memref_slice %arg2[%dma_wait3A_50, %dma_wait3A_51] : memref<10000x128xf32, #tpu.memory_space<hbm>> -> memref<10000x128xf32, #tpu.memory_space<hbm>>
      tpu.wait_indirect_dma semaphore(%arg11 : memref<!tpu.dma_semaphore, #tpu.memory_space<semaphore_mem>>) src(%dma_wait3A_52 : memref<10000x128xf32, #tpu.memory_space<hbm>>) dst(%arg8 : memref<128x128xf32, #tpu.memory_space<vmem>>)
      %run_scoped3A_53 = arith.constant 0 : i32
      "tpu.region"() ({
        %run_scoped3A_55 = tpu.sem_alloc : memref<!tpu.dma_semaphore, #tpu.memory_space<semaphore_mem>>
        %dma_start3A_56 = arith.constant 0 : i32
        %dma_start3A_57 = tpu.memref_slice %arg7[%run_scoped3A_53, %dma_start3A_56] : memref<1x128xi32, #tpu.memory_space<vmem>> -> memref<1x128xi32, #tpu.memory_space<vmem>>
        %dma_start3A_58 = tpu.memref_squeeze %dma_start3A_57 : memref<1x128xi32, #tpu.memory_space<vmem>> -> memref<128xi32, #tpu.memory_space<vmem>>
        %dma_start3A_59 = arith.constant 0 : i32
        %dma_start3A_60 = arith.constant 0 : i32
        %dma_start3A_61 = tpu.memref_slice %arg10[%dma_start3A_59, %dma_start3A_60] : memref<10240x128xf32, #tpu.memory_space<vmem_shared>> -> memref<10240x128xf32, #tpu.memory_space<vmem_shared>>
        tpu.enqueue_indirect_dma source(%arg8 : memref<128x128xf32, #tpu.memory_space<vmem>>) target(%dma_start3A_61 : memref<10240x128xf32, #tpu.memory_space<vmem_shared>>) offsets(%dma_start3A_58 : memref<128xi32, #tpu.memory_space<vmem>>) semaphore(%run_scoped3A_55 : memref<!tpu.dma_semaphore, #tpu.memory_space<semaphore_mem>>) {add = true}
        %dma_wait3A_62 = arith.constant 0 : i32
        %dma_wait3A_63 = tpu.memref_slice %arg7[%run_scoped3A_53, %dma_wait3A_62] : memref<1x128xi32, #tpu.memory_space<vmem>> -> memref<1x128xi32, #tpu.memory_space<vmem>>
        %dma_wait3A_64 = tpu.memref_squeeze %dma_wait3A_63 : memref<1x128xi32, #tpu.memory_space<vmem>> -> memref<128xi32, #tpu.memory_space<vmem>>
        %dma_wait3A_65 = arith.constant 0 : i32
        %dma_wait3A_66 = arith.constant 0 : i32
        %dma_wait3A_67 = tpu.memref_slice %arg10[%dma_wait3A_65, %dma_wait3A_66] : memref<10240x128xf32, #tpu.memory_space<vmem_shared>> -> memref<10240x128xf32, #tpu.memory_space<vmem_shared>>
        tpu.wait_indirect_dma semaphore(%run_scoped3A_55 : memref<!tpu.dma_semaphore, #tpu.memory_space<semaphore_mem>>) src(%arg8 : memref<128x128xf32, #tpu.memory_space<vmem>>) dst(%dma_wait3A_67 : memref<10240x128xf32, #tpu.memory_space<vmem_shared>>)
        tpu.yield
      }) : () -> ()
      %scan3A_54 = arith.constant 0 : i32
      scf.yield %scan3A_54 : i32
    }
    %scan3A_23 = arith.constant 79 : i32
    %barrier3A_24 = arith.constant 0 : index
    tpu.barrier barrier_id(%barrier3A_24)
    %scan3A_25 = arith.constant 0 : i32
    %scan3A_26 = arith.constant 0 : i32
    %scan3A_27 = arith.constant 5 : i32
    %scan3A_28 = arith.addi %scan3A_26, %scan3A_27 : i32
    %scan3A_29 = arith.constant 1 : i32
    %scan3A_30 = scf.for %scan3A_32 = %scan3A_26 to %scan3A_28 step %scan3A_29 iter_args(%scan3A_33 = %scan3A_25) -> (i32)  : i32 {
      %mul3A_34 = arith.constant 640 : i32
      %mul3A_35 = arith.muli %arg1, %mul3A_34 : i32
      %mul3A_36 = arith.constant 128 : i32
      %mul3A_37 = arith.muli %scan3A_32, %mul3A_36 : i32
      %add3A_38 = arith.addi %mul3A_35, %mul3A_37 : i32
      %mul3A_39 = arith.constant 10240 : i32
      %mul3A_40 = arith.muli %arg0, %mul3A_39 : i32
      %mul3A_41 = arith.constant 640 : i32
      %mul3A_42 = arith.muli %arg1, %mul3A_41 : i32
      %add3A_43 = arith.addi %mul3A_40, %mul3A_42 : i32
      %mul3A_44 = arith.constant 128 : i32
      %mul3A_45 = arith.muli %scan3A_32, %mul3A_44 : i32
      %add3A_46 = arith.addi %add3A_43, %mul3A_45 : i32
      "tpu.region"() ({
        %run_scoped3A = tpu.sem_alloc : memref<!tpu.dma_semaphore, #tpu.memory_space<semaphore_mem>>
        %dma_start3A = arith.constant 0 : i32
        %dma_start3A_48 = tpu.memref_slice %arg5[%add3A_46, %dma_start3A] : memref<20480x128xf32, #tpu.memory_space<hbm>> -> memref<128x128xf32, #tpu.memory_space<hbm>>
        %dma_start3A_49 = arith.constant 0 : i32
        %dma_start3A_50 = tpu.memref_slice %arg10[%add3A_38, %dma_start3A_49] : memref<10240x128xf32, #tpu.memory_space<vmem_shared>> -> memref<128x128xf32, #tpu.memory_space<vmem_shared>>
        tpu.enqueue_dma source(%dma_start3A_50 : memref<128x128xf32, #tpu.memory_space<vmem_shared>>) target(%dma_start3A_48 : memref<128x128xf32, #tpu.memory_space<hbm>>) target_semaphore(%run_scoped3A : memref<!tpu.dma_semaphore, #tpu.memory_space<semaphore_mem>>)
        %dma_wait3A = arith.constant 0 : i32
        %dma_wait3A_51 = tpu.memref_slice %arg5[%add3A_46, %dma_wait3A] : memref<20480x128xf32, #tpu.memory_space<hbm>> -> memref<128x128xf32, #tpu.memory_space<hbm>>
        %dma_wait3A_52 = arith.constant 0 : i32
        %dma_wait3A_53 = tpu.memref_slice %arg10[%add3A_38, %dma_wait3A_52] : memref<10240x128xf32, #tpu.memory_space<vmem_shared>> -> memref<128x128xf32, #tpu.memory_space<vmem_shared>>
        tpu.wait_dma2 semaphore(%run_scoped3A : memref<!tpu.dma_semaphore, #tpu.memory_space<semaphore_mem>>) src(%dma_wait3A_53 : memref<128x128xf32, #tpu.memory_space<vmem_shared>>) dst(%dma_wait3A_51 : memref<128x128xf32, #tpu.memory_space<hbm>>)
        tpu.yield
      }) : () -> ()
      %scan3A_47 = arith.constant 0 : i32
      scf.yield %scan3A_47 : i32
    }
    %scan3A_31 = arith.constant 5 : i32
    return
  }
}

module attributes {stable_mosaic.version = 14 : i64} {
  func.func @body(%arg0: i32, %arg1: memref<1000x128xf32, #tpu.memory_space<vmem>>, %arg2: memref<128x128xf32, #tpu.memory_space<vmem>>, %arg3: memref<1000x1xf32, #tpu.memory_space<vmem>>, %arg4: memref<1000x128xf32, #tpu.memory_space<vmem>>) attributes {dimension_semantics = [#tpu.dimension_semantics<arbitrary>], iteration_bounds = array<i64: 10>, scalar_prefetch = 0 : i64, scratch_operands = 0 : i64, tpu.core_type = #tpu.core_type<tc>, window_params = [{transform_indices = @transform_0, window_bounds = array<i64: 1000, 128>}, {pipeline_mode = #tpu.pipeline_mode<synchronous>, transform_indices = @transform_1, window_bounds = array<i64: 128, 128>}, {transform_indices = @transform_2, window_bounds = array<i64: 1000, 1>}, {transform_indices = @transform_3, window_bounds = array<i64: 1000, 128>}]} {
    %get3A = arith.constant 0 : index
    %get3A_0 = arith.constant 0 : index
    %get3A_1 = vector.load %arg3[%get3A, %get3A_0] : memref<1000x1xf32, #tpu.memory_space<vmem>>, vector<1000x1xf32>
    %rsqrt3A = math.rsqrt %get3A_1 : vector<1000x1xf32>
    %get3A_2 = arith.constant 0 : index
    %get3A_3 = arith.constant 0 : index
    %get3A_4 = vector.load %arg1[%get3A_2, %get3A_3] : memref<1000x128xf32, #tpu.memory_space<vmem>>, vector<1000x128xf32>
    %get3A_5 = arith.constant 0 : index
    %get3A_6 = arith.constant 0 : index
    %get3A_7 = vector.load %arg2[%get3A_5, %get3A_6] : memref<128x128xf32, #tpu.memory_space<vmem>>, vector<128x128xf32>
    %dot_general3A = arith.constant dense<0.000000e+00> : vector<1000x128xf32>
    %dot_general3A_8 = tpu.matmul %get3A_4, %get3A_7, %dot_general3A {dimension_numbers = #tpu.dot_dimension_numbers<[1], [0], [0], [1], [0, 0, 1, 1], [], []>, transpose_lhs_hint = false} : vector<1000x128xf32>, vector<128x128xf32>, vector<1000x128xf32> -> vector<1000x128xf32>
    %mul3A = vector.broadcast %rsqrt3A : vector<1000x1xf32> to vector<1000x128xf32>
    %mul3A_9 = arith.mulf %mul3A, %dot_general3A_8 : vector<1000x128xf32>
    %swap3A = arith.constant 0 : index
    %swap3A_10 = arith.constant 0 : index
    %swap3A_11 = vector.load %arg4[%swap3A, %swap3A_10] : memref<1000x128xf32, #tpu.memory_space<vmem>>, vector<1000x128xf32>
    tpu.vector_store %arg4[%swap3A, %swap3A_10], %mul3A_9 {strides = array<i32>} : memref<1000x128xf32, #tpu.memory_space<vmem>>, vector<1000x128xf32>,
    return
  }
  func.func @transform_0(%arg0: i32) -> (i32, i32) {
    %c0_i32 = arith.constant 0 : i32
    %c0_i32_0 = arith.constant 0 : i32
    return %arg0, %c0_i32 : i32, i32
  }
  func.func @transform_1(%arg0: i32) -> (i32, i32) {
    %c0_i32 = arith.constant 0 : i32
    %c0_i32_0 = arith.constant 0 : i32
    %c0_i32_1 = arith.constant 0 : i32
    return %c0_i32, %c0_i32_0 : i32, i32
  }
  func.func @transform_2(%arg0: i32) -> (i32, i32) {
    %c0_i32 = arith.constant 0 : i32
    %c0_i32_0 = arith.constant 0 : i32
    return %arg0, %c0_i32 : i32, i32
  }
  func.func @transform_3(%arg0: i32) -> (i32, i32) {
    %c0_i32 = arith.constant 0 : i32
    %c0_i32_0 = arith.constant 0 : i32
    return %arg0, %c0_i32 : i32, i32
  }
}

module attributes {stable_mosaic.version = 14 : i64} {
  func.func @body(%arg0: i32, %arg1: memref<2x1000x128xf32, #tpu.memory_space<vmem>>, %arg2: memref<1000x128xf32, #tpu.memory_space<vmem>>, %arg3: memref<1000x1xf32, #tpu.memory_space<vmem>>, %arg4: memref<1x128xf32, #tpu.memory_space<vmem>>, %arg5: memref<128x128xf32, #tpu.memory_space<vmem>>, %arg6: memref<1000x128xf32, #tpu.memory_space<vmem>>) attributes {dimension_semantics = [#tpu.dimension_semantics<arbitrary>], iteration_bounds = array<i64: 10>, scalar_prefetch = 0 : i64, scratch_operands = 0 : i64, tpu.core_type = #tpu.core_type<tc>, window_params = [{transform_indices = @transform_0, window_bounds = array<i64: 2, 1000, 128>}, {transform_indices = @transform_1, window_bounds = array<i64: 1000, 128>}, {transform_indices = @transform_2, window_bounds = array<i64: 1000, 1>}, {pipeline_mode = #tpu.pipeline_mode<synchronous>, transform_indices = @transform_3, window_bounds = array<i64: 1, 128>}, {pipeline_mode = #tpu.pipeline_mode<synchronous>, transform_indices = @transform_4, window_bounds = array<i64: 128, 128>}, {transform_indices = @transform_5, window_bounds = array<i64: 1000, 128>}]} {
    %get3A = arith.constant 0 : index
    %get3A_0 = arith.constant 0 : index
    %get3A_1 = vector.load %arg3[%get3A, %get3A_0] : memref<1000x1xf32, #tpu.memory_space<vmem>>, vector<1000x1xf32>
    %rsqrt3A = math.rsqrt %get3A_1 : vector<1000x1xf32>
    %get3A_2 = arith.constant 0 : index
    %get3A_3 = arith.constant 0 : index
    %get3A_4 = arith.constant 0 : index
    %get3A_5 = vector.load %arg1[%get3A_2, %get3A_3, %get3A_4] : memref<2x1000x128xf32, #tpu.memory_space<vmem>>, vector<1x1000x128xf32>
    %get3A_6 = vector.shape_cast %get3A_5 : vector<1x1000x128xf32> to vector<1000x128xf32>
    %get3A_7 = arith.constant 1 : index
    %get3A_8 = arith.constant 0 : index
    %get3A_9 = arith.constant 0 : index
    %get3A_10 = vector.load %arg1[%get3A_7, %get3A_8, %get3A_9] : memref<2x1000x128xf32, #tpu.memory_space<vmem>>, vector<1x1000x128xf32>
    %get3A_11 = vector.shape_cast %get3A_10 : vector<1x1000x128xf32> to vector<1000x128xf32>
    %add3A = arith.addf %get3A_6, %get3A_11 : vector<1000x128xf32>
    %get3A_12 = arith.constant 0 : index
    %get3A_13 = arith.constant 0 : index
    %get3A_14 = vector.load %arg2[%get3A_12, %get3A_13] : memref<1000x128xf32, #tpu.memory_space<vmem>>, vector<1000x128xf32>
    %add3A_15 = arith.addf %add3A, %get3A_14 : vector<1000x128xf32>
    %mul3A = vector.broadcast %rsqrt3A : vector<1000x1xf32> to vector<1000x128xf32>
    %mul3A_16 = arith.mulf %mul3A, %add3A_15 : vector<1000x128xf32>
    %get3A_17 = arith.constant 0 : index
    %get3A_18 = arith.constant 0 : index
    %get3A_19 = vector.load %arg4[%get3A_17, %get3A_18] : memref<1x128xf32, #tpu.memory_space<vmem>>, vector<1x128xf32>
    %add3A_20 = vector.broadcast %get3A_19 : vector<1x128xf32> to vector<1000x128xf32>
    %add3A_21 = arith.addf %mul3A_16, %add3A_20 : vector<1000x128xf32>
    %max3A = arith.constant 0.000000e+00 : f32
    %max3A_22 = vector.broadcast %max3A : f32 to vector<1000x128xf32>
    %max3A_23 = arith.maximumf %add3A_21, %max3A_22 : vector<1000x128xf32>
    %get3A_24 = arith.constant 0 : index
    %get3A_25 = arith.constant 0 : index
    %get3A_26 = vector.load %arg5[%get3A_24, %get3A_25] : memref<128x128xf32, #tpu.memory_space<vmem>>, vector<128x128xf32>
    %dot_general3A = arith.constant dense<0.000000e+00> : vector<1000x128xf32>
    %dot_general3A_27 = tpu.matmul %max3A_23, %get3A_26, %dot_general3A {dimension_numbers = #tpu.dot_dimension_numbers<[1], [0], [0], [1], [0, 0, 1, 1], [], []>, transpose_lhs_hint = false} : vector<1000x128xf32>, vector<128x128xf32>, vector<1000x128xf32> -> vector<1000x128xf32>
    %mul3A_28 = vector.broadcast %rsqrt3A : vector<1000x1xf32> to vector<1000x128xf32>
    %mul3A_29 = arith.mulf %mul3A_28, %dot_general3A_27 : vector<1000x128xf32>
    %swap3A = arith.constant 0 : index
    %swap3A_30 = arith.constant 0 : index
    %swap3A_31 = vector.load %arg6[%swap3A, %swap3A_30] : memref<1000x128xf32, #tpu.memory_space<vmem>>, vector<1000x128xf32>
    tpu.vector_store %arg6[%swap3A, %swap3A_30], %mul3A_29 {strides = array<i32>} : memref<1000x128xf32, #tpu.memory_space<vmem>>, vector<1000x128xf32>,
    return
  }
  func.func @transform_0(%arg0: i32) -> (i32, i32, i32) {
    %c0_i32 = arith.constant 0 : i32
    %c0_i32_0 = arith.constant 0 : i32
    %c0_i32_1 = arith.constant 0 : i32
    return %c0_i32, %arg0, %c0_i32_0 : i32, i32, i32
  }
  func.func @transform_1(%arg0: i32) -> (i32, i32) {
    %c0_i32 = arith.constant 0 : i32
    %c0_i32_0 = arith.constant 0 : i32
    return %arg0, %c0_i32 : i32, i32
  }
  func.func @transform_2(%arg0: i32) -> (i32, i32) {
    %c0_i32 = arith.constant 0 : i32
    %c0_i32_0 = arith.constant 0 : i32
    return %arg0, %c0_i32 : i32, i32
  }
  func.func @transform_3(%arg0: i32) -> (i32, i32) {
    %c0_i32 = arith.constant 0 : i32
    %c0_i32_0 = arith.constant 0 : i32
    %c0_i32_1 = arith.constant 0 : i32
    return %c0_i32, %c0_i32_0 : i32, i32
  }
  func.func @transform_4(%arg0: i32) -> (i32, i32) {
    %c0_i32 = arith.constant 0 : i32
    %c0_i32_0 = arith.constant 0 : i32
    %c0_i32_1 = arith.constant 0 : i32
    return %c0_i32, %c0_i32_0 : i32, i32
  }
  func.func @transform_5(%arg0: i32) -> (i32, i32) {
    %c0_i32 = arith.constant 0 : i32
    %c0_i32_0 = arith.constant 0 : i32
    return %arg0, %c0_i32 : i32, i32
  }
}

module attributes {stable_mosaic.version = 14 : i64} {
  func.func @body(%arg0: i32, %arg1: memref<2x1000x128xf32, #tpu.memory_space<vmem>>, %arg2: memref<1000x128xf32, #tpu.memory_space<vmem>>, %arg3: memref<1000x1xf32, #tpu.memory_space<vmem>>, %arg4: memref<1x128xf32, #tpu.memory_space<vmem>>, %arg5: memref<1000x128xf32, #tpu.memory_space<vmem>>) attributes {dimension_semantics = [#tpu.dimension_semantics<arbitrary>], iteration_bounds = array<i64: 10>, scalar_prefetch = 0 : i64, scratch_operands = 0 : i64, tpu.core_type = #tpu.core_type<tc>, window_params = [{transform_indices = @transform_0, window_bounds = array<i64: 2, 1000, 128>}, {transform_indices = @transform_1, window_bounds = array<i64: 1000, 128>}, {transform_indices = @transform_2, window_bounds = array<i64: 1000, 1>}, {pipeline_mode = #tpu.pipeline_mode<synchronous>, transform_indices = @transform_3, window_bounds = array<i64: 1, 128>}, {transform_indices = @transform_4, window_bounds = array<i64: 1000, 128>}]} {
    %get3A = arith.constant 0 : index
    %get3A_0 = arith.constant 0 : index
    %get3A_1 = vector.load %arg3[%get3A, %get3A_0] : memref<1000x1xf32, #tpu.memory_space<vmem>>, vector<1000x1xf32>
    %rsqrt3A = math.rsqrt %get3A_1 : vector<1000x1xf32>
    %get3A_2 = arith.constant 0 : index
    %get3A_3 = arith.constant 0 : index
    %get3A_4 = arith.constant 0 : index
    %get3A_5 = vector.load %arg1[%get3A_2, %get3A_3, %get3A_4] : memref<2x1000x128xf32, #tpu.memory_space<vmem>>, vector<1x1000x128xf32>
    %get3A_6 = vector.shape_cast %get3A_5 : vector<1x1000x128xf32> to vector<1000x128xf32>
    %get3A_7 = arith.constant 1 : index
    %get3A_8 = arith.constant 0 : index
    %get3A_9 = arith.constant 0 : index
    %get3A_10 = vector.load %arg1[%get3A_7, %get3A_8, %get3A_9] : memref<2x1000x128xf32, #tpu.memory_space<vmem>>, vector<1x1000x128xf32>
    %get3A_11 = vector.shape_cast %get3A_10 : vector<1x1000x128xf32> to vector<1000x128xf32>
    %add3A = arith.addf %get3A_6, %get3A_11 : vector<1000x128xf32>
    %get3A_12 = arith.constant 0 : index
    %get3A_13 = arith.constant 0 : index
    %get3A_14 = vector.load %arg2[%get3A_12, %get3A_13] : memref<1000x128xf32, #tpu.memory_space<vmem>>, vector<1000x128xf32>
    %add3A_15 = arith.addf %add3A, %get3A_14 : vector<1000x128xf32>
    %mul3A = vector.broadcast %rsqrt3A : vector<1000x1xf32> to vector<1000x128xf32>
    %mul3A_16 = arith.mulf %mul3A, %add3A_15 : vector<1000x128xf32>
    %get3A_17 = arith.constant 0 : index
    %get3A_18 = arith.constant 0 : index
    %get3A_19 = vector.load %arg4[%get3A_17, %get3A_18] : memref<1x128xf32, #tpu.memory_space<vmem>>, vector<1x128xf32>
    %add3A_20 = vector.broadcast %get3A_19 : vector<1x128xf32> to vector<1000x128xf32>
    %add3A_21 = arith.addf %mul3A_16, %add3A_20 : vector<1000x128xf32>
    %swap3A = arith.constant 0 : index
    %swap3A_22 = arith.constant 0 : index
    %swap3A_23 = vector.load %arg5[%swap3A, %swap3A_22] : memref<1000x128xf32, #tpu.memory_space<vmem>>, vector<1000x128xf32>
    tpu.vector_store %arg5[%swap3A, %swap3A_22], %add3A_21 {strides = array<i32>} : memref<1000x128xf32, #tpu.memory_space<vmem>>, vector<1000x128xf32>,
    return
  }
  func.func @transform_0(%arg0: i32) -> (i32, i32, i32) {
    %c0_i32 = arith.constant 0 : i32
    %c0_i32_0 = arith.constant 0 : i32
    %c0_i32_1 = arith.constant 0 : i32
    return %c0_i32, %arg0, %c0_i32_0 : i32, i32, i32
  }
  func.func @transform_1(%arg0: i32) -> (i32, i32) {
    %c0_i32 = arith.constant 0 : i32
    %c0_i32_0 = arith.constant 0 : i32
    return %arg0, %c0_i32 : i32, i32
  }
  func.func @transform_2(%arg0: i32) -> (i32, i32) {
    %c0_i32 = arith.constant 0 : i32
    %c0_i32_0 = arith.constant 0 : i32
    return %arg0, %c0_i32 : i32, i32
  }
  func.func @transform_3(%arg0: i32) -> (i32, i32) {
    %c0_i32 = arith.constant 0 : i32
    %c0_i32_0 = arith.constant 0 : i32
    %c0_i32_1 = arith.constant 0 : i32
    return %c0_i32, %c0_i32_0 : i32, i32
  }
  func.func @transform_4(%arg0: i32) -> (i32, i32) {
    %c0_i32 = arith.constant 0 : i32
    %c0_i32_0 = arith.constant 0 : i32
    return %arg0, %c0_i32 : i32, i32
  }
}

</mosaic_0001>

<sc_bundles>
// kernel: kernel.11.cloned.1.call-start
scs
__scs_entry_jumppad:
0x0: {  	(pc) =	sbr.rel $0x88, $3  }
0x1: {  	(tag) =	ssettag $0x0;
	lr =	simm.s32 $0x1  }
0x2: {  	[smem:$0x3F9B] =	sst lr;
	_ =	strace $0xD0000000  }
0x3: {  	_ = 	snop  }
0x4: {  	_ = 	snop  }
0x5: {  	_ = 	snop  }
0x6: {  	_ = 	snop  }
0x7: {  	_ = 	snop  }
__scs_overlays_trampoline_lowered:
0x8: {  	[smem:$0x3FAA] =	sst s0  }
0x9: {  	[smem:$0x3FAB] =	sst s1  }
0xa: {  	[smem:$0x3FAC] =	sst s2  }
0xb: {  	[smem:$0x3FAD] =	sst s3  }
0xc: {  	[smem:$0x3FAE] =	sst s4  }
0xd: {  	[smem:$0x3FAF] =	sst s5  }
0xe: {  	[smem:$0x3FB0] =	sst s6  }
0xf: {  	[smem:$0x3FB1] =	sst s7  }
0x10: {  	[smem:$0x3FB2] =	sst s8  }
0x11: {  	[smem:$0x3FB3] =	sst s9;
	s0 =	simm.s32 @!p0 $0x0  }
0x12: {  	s1 =	sld [smem:$0x3F99];
	s0 =	simm.s32 @p0 $0x1  }
0x13: {  	[smem:$0x3FB4] =	sst s0;
	s0 =	simm.s32 @!p1 $0x0  }
0x14: {  	s2 =	sld [smem:$0x3F98];
	s0 =	simm.s32 @p1 $0x1  }
0x15: {  	[smem:$0x3FB5] =	sst s0;
	s0 =	simm.s32 @!p2 $0x0  }
0x16: {  	s3 =	sld [smem:$0x3FDB];
	s0 =	simm.s32 @p2 $0x1  }
0x17: {  	s4 =	simm.s32 $0x1BF5;
	[smem:$0x3FB7] =	sst s0  }
0x18: {  	s0 =	sld [smem:$0x3F9A];
	_ =	swait.ge [sflag:s4], $0x0  }
0x19: {  	s7 =	sld [smem:$0x3F9B]  }
0x1a: {  	s8 =	sadd.s32 $0xFFFFE003, lr  }
0x1b: {  	s9 =	sadd.s32 $0xFFFFFEF7, lr;
	s5 =	simm.s32 $0xFFFFFFFF;
	p2 =	slt.u32 s8, $0xFFFFF086  }
0x1c: {  	p1 =	slt.u32 s9, $0xF7A;
	s5 =	simm.s32 @!p2 $0x0  }
0x1d: {  	s5 =	simm.s32 @p1 $0x1;
	p0 =	seq.s32 s7, s2  }
0x1e: {  	s7 =	smul.u32 @!p0 $0xF7A, s2;
	p2 =	seq.s32 @!p0 s5, $0x0  }
0x1f: {  	s9 =	smul.u32 $0xF7A, s1;
	s8 =	simm.s32 @!p0 $0x1BF5;
	p2 =	por !p2, p0  }
0x20: {  	[sflag:s8] =	ssyncset.s32 @!p0 $0xFFFFF086;
	s6 =	sadd.s32 @!p0 s3, s7;
	s7 =	simm.s32 @!p0 $0x108  }
0x21: {  	s3 =	sadd.s32 s3, s9;
	s6 =	sadd.s32 @!p0 $0x88, s6;
	s7 =	simm.s32 @p2 $0x1082  }
0x22: {  	[simem:s7], [sflag:s8] =	dma.local @!p0 [hbm:s6], $0xF7A  }
0x23: {  	s9 =	sor.u32 $0xD0000000, s2;
	s6 =	simm.s32 $0x108;
	_ =	swait.ge @!p0 [sflag:s8], $0x0  }
0x24: {  	s3 =	sadd.s32 $0x88, s3;
	s6 =	simm.s32 @!p1 $0x1082;
	[sflag:s4] =	ssyncset.s32 $0xFFFFF086  }
0x25: {  	[simem:s6], [sflag:s4] =	dma.local [hbm:s3], $0xF7A  }
0x26: {  	[smem:$0x3F9B] =	sst s1;
	(tag) =	ssettag s2;
	_ =	strace s9  }
0x27: {  	s1 =	sld [smem:$0x3FAB]  }
0x28: {  	s2 =	sld [smem:$0x3FAC]  }
0x29: {  	s4 =	sld [smem:$0x3FAE]  }
0x2a: {  	p0 =	seq.s32 s5, $0x0;
	s5 =	sld [smem:$0x3FAF]  }
0x2b: {  	s6 =	sld [smem:$0x3FB0]  }
0x2c: {  	s7 =	sld [smem:$0x3FB1]  }
0x2d: {  	s3 =	simm.s32 $0x108;
	s8 =	sld [smem:$0x3FB2]  }
0x2e: {  	s3 =	simm.s32 @!p0 $0x1082;
	s9 =	sld [smem:$0x3FB3]  }
0x2f: {  	lr =	sadd.s32 s0, s3;
	s0 =	sld [smem:$0x3FAA]  }
0x30: {  	s3 =	sld [smem:$0x3FAD]  }
0x31: {  	[smem:$0x3FB6] =	sst s10  }
0x32: {  	s10 =	sld [smem:$0x3FB4];
	_ =	sdelay $0x3  }
0x33: {  	p0 =	seq.s32 s10, $0x1;
	s10 =	sld [smem:$0x3FB6];
	_ =	sdelay $0x3  }
0x34: {  	[smem:$0x3FB6] =	sst s10  }
0x35: {  	s10 =	sld [smem:$0x3FB5];
	_ =	sdelay $0x3  }
0x36: {  	p1 =	seq.s32 s10, $0x1;
	s10 =	sld [smem:$0x3FB6];
	_ =	sdelay $0x3  }
0x37: {  	[smem:$0x3FB6] =	sst s10  }
0x38: {  	s10 =	sld [smem:$0x3FB7]  }
0x39: {  	_ = 	snop;
	(pc) =	sbr.ind lr, $3  }
0x3a: {  	_ = 	snop  }
0x3b: {  	_ = 	snop  }
0x3c: {  	p2 =	seq.s32 s10, $0x1;
	s10 =	sld [smem:$0x3FB6]  }
0x3d: {  	_ =	shalt  }
0x3e: {  	_ =	shalt  }
0x3f: {  	_ =	shalt  }
0x40: {  	_ =	shalt  }
0x41: {  	_ =	shalt  }
0x42: {  	_ =	shalt  }
0x43: {  	_ =	shalt  }
0x44: {  	_ =	shalt  }
0x45: {  	_ =	shalt  }
0x46: {  	_ =	shalt  }
0x47: {  	_ =	shalt  }
0x48: {  	_ =	shalt  }
0x49: {  	_ =	shalt  }
0x4a: {  	_ =	shalt  }
0x4b: {  	_ =	shalt  }
0x4c: {  	_ =	shalt  }
0x4d: {  	_ =	shalt  }
0x4e: {  	_ =	shalt  }
0x4f: {  	_ =	shalt  }
0x50: {  	_ =	shalt  }
0x51: {  	_ =	shalt  }
0x52: {  	_ =	shalt  }
0x53: {  	_ =	shalt  }
0x54: {  	_ =	shalt  }
0x55: {  	_ =	shalt  }
0x56: {  	_ =	shalt  }
0x57: {  	_ =	shalt  }
0x58: {  	_ =	shalt  }
0x59: {  	_ =	shalt  }
0x5a: {  	_ =	shalt  }
0x5b: {  	_ =	shalt  }
0x5c: {  	_ =	shalt  }
0x5d: {  	_ =	shalt  }
0x5e: {  	_ =	shalt  }
0x5f: {  	_ =	shalt  }
0x60: {  	_ =	shalt  }
0x61: {  	_ =	shalt  }
0x62: {  	_ =	shalt  }
0x63: {  	_ =	shalt  }
0x64: {  	_ =	shalt  }
0x65: {  	_ =	shalt  }
0x66: {  	_ =	shalt  }
0x67: {  	_ =	shalt  }
0x68: {  	_ =	shalt  }
0x69: {  	_ =	shalt  }
0x6a: {  	_ =	shalt  }
0x6b: {  	_ =	shalt  }
0x6c: {  	_ =	shalt  }
0x6d: {  	_ =	shalt  }
0x6e: {  	_ =	shalt  }
0x6f: {  	_ =	shalt  }
0x70: {  	_ =	shalt  }
0x71: {  	_ =	shalt  }
0x72: {  	_ =	shalt  }
0x73: {  	_ =	shalt  }
0x74: {  	_ =	shalt  }
0x75: {  	_ =	shalt  }
0x76: {  	_ =	shalt  }
0x77: {  	_ =	shalt  }
0x78: {  	_ =	shalt  }
0x79: {  	_ =	shalt  }
0x7a: {  	_ =	shalt  }
0x7b: {  	_ =	shalt  }
0x7c: {  	_ =	shalt  }
0x7d: {  	_ =	shalt  }
0x7e: {  	_ =	shalt  }
0x7f: {  	_ =	shalt  }
0x80: {  	_ =	shalt  }
0x81: {  	_ =	shalt  }
0x82: {  	_ =	shalt  }
0x83: {  	_ =	shalt  }
0x84: {  	_ =	shalt  }
0x85: {  	_ =	shalt  }
0x86: {  	_ =	shalt  }
0x87: {  	_ =	shalt  }
.Lfunc_end0:
.L_simem_size_0:
called_computation.1_lowered:
.L_overlay_start_0:
0x88: {  	s2 =	sld [smem:$0x3FD9]  }
0x89: {  	s3 =	sld [smem:$0x3FFE];
	_ =	sdelay $0x1  }
0x8a: {  	s1 =	srdreg.scid  }
0x8b: {  	s0 =	sand.u32 $0x1, s1  }
0x8c: {  	s17 =	sshll.u32 s0, $0xA;
	s2 =	sadd.s32 s3, s2  }
0x8d: {  	s2 =	sadd.s32 s2, s17  }
0x8e: {  	[smem:$0x3FC2] =	sst s2  }
0x8f: {  	_ = 	snop  }
0x90: {  	s2 =	sld [smem:$0x3FD0];
	(tm) =	ssettm $0x1  }
0x91: {  	s18 =	sld [smem:$0x3FFB];
	_ =	sdelay $0x3  }
0x92: {  	_ =	strace s18  }
0x93: {  	s3 =	sld [smem:$0x3FFC];
	_ =	sdelay $0x3  }
0x94: {  	_ =	strace s3  }
0x95: {  	s3 =	sld [smem:$0x3FFD];
	_ =	sdelay $0x3  }
0x96: {  	_ =	strace s3  }
0x97: {  	_ =	strace $0x8FFFFFFF  }
0x98: {  	s19 =	sld [smem:$0x3FDB];
	_ =	sdelay $0x1  }
0x99: {  	s4 =	simm.s32 $_scs_section_size  }
0x9a: {  	s5 =	simm.s32 $_size__tile_overlayer_lowered;
	s6 =	simm.s32 $_tile_overlayer_lowered  }
0x9b: {  	s22 =	simm.s32 $0x1BFF;
	s21 =	sshll.u32 s6, $0x1;
	s3 =	sadd.s32 s4, s19  }
0x9c: {  	s7 =	simm.s32 $0x0;
	s20 =	sshll.u32 s5, $0x1;
	s5 =	sadd.s32 s21, s3  }
0x9d: {  	[timem:s7], [sflag:s22] =	dma.local [hbm:s5], s20  }
0x9e: {  	_ =	swait.ge [sflag:s22], s20  }
0x9f: {  	s4 =	ssub.s32 $0x0, s20;
	[sflag:s22] =	ssyncset.done $0x0  }
0xa0: {  	[sflag:s22] =	ssyncadd.s32 s4;
	_ =	sdelay $0x1  }
0xa1: {  	s23 =	simm.s32 $0x1B8B  }
0xa2: {  	_ =	swait.ge [sflag:s23], $0x1  }
0xa3: {  	[sflag:s23] =	ssyncset.done $0x0  }
0xa4: {  	s25 =	simm.s32 $0x1B8E;
	s24 =	sld [smem:$0x3FFE];
	[sflag:s23] =	ssyncadd.s32 $0xFFFFFFFF  }
0xa5: {  	s26 =	simm.s32 $execute0_lowered;
	[smem:$0x3FD2] =	sst s25  }
0xa6: {  	s5 =	sshll.u32 s26, $0x1;
	_ =	strace $0x80000049;
	[dreg:$0x1] =	wrdreg $0xFFFFFFFF  }
0xa7: {  	s28 =	simm.s32 $_size_execute0_lowered;
	s3 =	sadd.s32 s3, s5;
	[dreg:$0x0] =	wrdreg $0x0  }
0xa8: {  	s5 =	sshll.u32 s28, $0x1;
	[dreg:$0x2] =	wrdreg s3  }
0xa9: {  	[dreg:$0x3] =	wrdreg s5  }
0xaa: {  	[dreg:$0x4] =	wrdreg $0xC0  }
0xab: {  	_ =	task [dreg:s7], $0x5FFFF  }
0xac: {  	[dreg:$0x1] =	wrdreg $0xFFFFFFFF  }
0xad: {  	[dreg:$0x0] =	wrdreg $0x60  }
0xae: {  	[dreg:$0x2] =	wrdreg s2  }
0xaf: {  	[dreg:$0x3] =	wrdreg s24  }
0xb0: {  	[dreg:$0x4] =	wrdreg $0x81000  }
0xb1: {  	[dreg:$0x5] =	wrdreg $0x9  }
0xb2: {  	_ =	task.clear_ibuf [dreg:s7], $0x6FFFF;
	_ =	strace $0x90000049  }
0xb3: {  	s29 =	simm.s32 $0x9;
	_ =	strace $0x8000004B  }
0xb4: {  	_ =	swait.ge [sflag:s29], $0x1  }
0xb5: {  	[sflag:s29] =	ssyncadd.s32 $0xFFFFFFFF  }
0xb6: {  	_ =	strace $0x9000004B  }
0xb7: {  	_ =	sfence  }
0xb8: {  	s30 =	sld [smem:$0x0];
	_ =	sdelay $0x2  }
0xb9: {  	s31 =	sshll.u32 s1, $0xD;
	s1 =	sshrl.u32 s1, $0x2  }
0xba: {  	s3 =	sand.u32 $0x4000, s31;
	s1 =	sadd.s32 s1, s30  }
0xbb: {  	s0 =	sor.u32 s3, s0;
	s1 =	sshll.u32 s1, $0x11  }
0xbc: {  	s0 =	sor.u32 s1, s0  }
0xbd: {  	s0 =	sadd.s32 $0x8F2B, s0  }
0xbe: {  	[sflag:s0] =	ssyncadd.remote.s32 $0x1  }
0xbf: {  	_ =	sfence.sel $0xFFFF  }
0xc0: {  	[dreg:$0x0] =	wrdreg $0xFFFFFFFF;
	(pc) =	sbr.abs _section_cstart, $3  }
0xc1: {  	[dreg:$0x1] =	wrdreg $0xFFFFFFFF  }
0xc2: {  	_ =	task.clear_ibuf [dreg:s7], $0x2FFFF;
	_ =	strace $0x9FFFFFFF  }
0xc3: {  	(tm) =	ssettm $0x7FFFFFFF  }
tec
execute0_lowered:
.L_overlay_start_1:
0x0: {  	(tag) =	ssettag $0x1  }
0x1: {  	s1 =	rddreg [dreg:$0x0]  }
0x2: {  	s5 =	rddreg [dreg:$0x1]  }
0x3: {  	s3 =	rddreg [dreg:$0x2]  }
0x4: {  	s0 =	rddreg [dreg:$0x3]  }
0x5: {  	s6 =	srdreg.scid;
	s2 =	stileid.u32;
	s4 =	simm.s32 $0x0  }
0x6: {  	s18 =	simm.s32 $0x4100;
	s19 =	simm.s32 $0x2;
	s7 =	smul.u32 $0x280, s2  }
0x7: {  	s20 =	simm.s32 $0x80;
	s21 =	simm.s32 $0x100;
	s28 =	smul.u32 $0x50000, s2  }
0x8: {  	s22 =	simm.s32 $0x1;
	s6 =	sand.u32 $0x1, s6;
	s17 =	smul.u32 $0x4F0, s2  }
0x9: {  	s23 =	simm.s32 $0x0;
	[smem:$0x7FF] =	sst s4;
	s8 =	smul.u32 $0x2800, s6  }
0xa: {  	_ =	strace $0x8000004A;
	s9 =	smul.u32 $0x4F00, s6;
	s6 =	ssub.s32 $0x2, s6  }
0xb: {  	s29 =	sshrl.u32 s6, $0x1;
	s31 =	sshrl.u32 s28, $0x2;
	s7 =	sadd.s32 s8, s7  }
0xc: {  	s15 =	sadd.s32 s9, s5;
	s30 =	ssub.s32 s6, s29;
	s7 =	sshll.u32 s7, $0x4  }
0xd: {  	s17 =	sadd.s32 s17, s15;
	s16 =	sadd.s32 s7, s5;
	s5 =	sadd.s32 s31, s3  }
0xe: {  	s7 =	smax.u32 s30, $0x1;
	s6 =	sadd.s32 $0xB600, s16;
	s8 =	sadd.s32 $0x4000, s5  }
0xf: {  	s9 =	sadd.s32 $0x8000, s5;
	s10 =	sadd.s32 $0xC000, s5;
	s11 =	sadd.s32 $0x10000, s5  }
0x10: {  	s12 =	sadd.s32 $0xBE00, s16;
	s13 =	sadd.s32 $0xC600, s16;
	s14 =	sadd.s32 $0xCE00, s16  }
0x11: {  	v0 =	vimm.f32 $0.0e+00;
	s15 =	sadd.s32 $0xD600, s16;
	s16 =	sadd.s32 $0x1800, s17;
	s17 =	sadd.s32 $0x5B600, s17  }
.LBB2_1:
0x12: {  	s24 =	sand.u32 $0xFE00, s4  }
0x13: {  	s25 =	sand.u32 $0x70, s4;
	s26 =	sshrl.u32 s24, $0x2  }
0x14: {  	s24 =	simm.s32 $0x40;
	s26 =	sor.u32 s25, s26;
	s25 =	simm.s32 $0x0  }
.LBB2_2:
0x15: {  	p0 =	sne.s32 s24, $0xFFC0  }
0x16: {  	[tilespmem:s26+$0x4100] =	vst v0;
	s25 =	sadd.s32 $0x10, s25;
	s26 =	smov.u32 s24;
	s24 =	sadd.s32 $0x40, s24  }
.Ltmp0:
0x17: {  	(pc) =	sbr.rel @p0 .LBB2_2-.Ltmp0, $4  }
0x18: {  	_ = 	snop  }
0x19: {  	s26 =	sand.u32 $0xFE00, s26  }
0x1a: {  	s28 =	sand.u32 $0x70, s25;
	s26 =	sshrl.u32 s26, $0x2  }
0x1b: {  	s26 =	sor.u32 s28, s26  }
0x1c: {  	[tilespmem:s26+$0x4100] =	vst v0  }
0x1d: {  	[spmem:s5] =	stream.linear.scatter [tilespmem:s18], [sflag:$0x2], $0x4000, $0x38;
	[tilespmem:$0x1C100] =	vst v63  }
0x1e: {  	_ =	swait.ge [sflag:s19], $0x4000  }
0x1f: {  	[sflag:s19] =	ssyncset.done $0x0  }
0x20: {  	[sflag:s19] =	ssyncadd.s32 $0xFFFFC000  }
0x21: {  	[spmem:s8] =	stream.linear.scatter [tilespmem:s18], [sflag:$0x2], $0x4000, $0x38;
	[tilespmem:$0x1C100] =	vst v63  }
0x22: {  	_ =	swait.ge [sflag:s19], $0x4000  }
0x23: {  	[sflag:s19] =	ssyncset.done $0x0  }
0x24: {  	[sflag:s19] =	ssyncadd.s32 $0xFFFFC000  }
0x25: {  	[spmem:s9] =	stream.linear.scatter [tilespmem:s18], [sflag:$0x2], $0x4000, $0x38;
	[tilespmem:$0x1C100] =	vst v63  }
0x26: {  	_ =	swait.ge [sflag:s19], $0x4000  }
0x27: {  	[sflag:s19] =	ssyncset.done $0x0  }
0x28: {  	[sflag:s19] =	ssyncadd.s32 $0xFFFFC000  }
0x29: {  	[spmem:s10] =	stream.linear.scatter [tilespmem:s18], [sflag:$0x2], $0x4000, $0x38;
	[tilespmem:$0x1C100] =	vst v63  }
0x2a: {  	_ =	swait.ge [sflag:s19], $0x4000  }
0x2b: {  	[sflag:s19] =	ssyncset.done $0x0  }
0x2c: {  	[sflag:s19] =	ssyncadd.s32 $0xFFFFC000  }
0x2d: {  	[spmem:s11] =	stream.linear.scatter [tilespmem:s18], [sflag:$0x2], $0x4000, $0x38;
	[tilespmem:$0x1C100] =	vst v63  }
0x2e: {  	_ =	swait.ge [sflag:s19], $0x4000  }
0x2f: {  	[sflag:s19] =	ssyncset.done $0x0  }
0x30: {  	[sflag:s19] =	ssyncadd.s32 $0xFFFFC000  }
0x31: {  	s24 =	sadd.s32 $0x0, s17;
	[bflag:$0x0] =	sbarrier.arrive $0xFFFF  }
0x32: {  	[tilespmem:s4], [sflag:$0x2] =	stream.linear.gather [hbm4b:s24+s4], $0x80, $0x38;
	[tilespmem:$0x1C100] =	vst v63  }
0x33: {  	_ =	swait.ge [sflag:s19], $0x80  }
0x34: {  	[sflag:s19] =	ssyncset.done $0x0  }
0x35: {  	s31 =	sadd.s32 $0x0, s16;
	[sflag:s19] =	ssyncadd.s32 $0xFFFFFF80  }
0x36: {  	[tilespmem:s20], [sflag:$0x2] =	stream.linear.gather [hbm4b:s31+s4], $0x80, $0x38;
	[tilespmem:$0x1C100] =	vst v63  }
0x37: {  	_ =	swait.ge [sflag:s19], $0x80  }
0x38: {  	[sflag:s19] =	ssyncset.done $0x0  }
0x39: {  	[sflag:s19] =	ssyncadd.s32 $0xFFFFFF80  }
0x3a: {  	[tilespmem:s21], [sflag:$0x1] =	stream.indirect.gather [hbm4b:s1+s20], $0x80, s4, s20, $0xb8;
	[tilespmem:$0x1C100] =	vst v63  }
0x3b: {  	_ =	swait.ge [sflag:s22], $0x4000  }
0x3c: {  	[sflag:s22] =	ssyncset.done $0x0  }
0x3d: {  	[sflag:s22] =	ssyncadd.s32 $0xFFFFC000  }
0x3e: {  	[spmem:s3] =	stream.indirect.scatter.add.f32 [tilespmem:s21], [sflag:$0x2], $0x80, s20, s20, $0xb8;
	[tilespmem:$0x1C100] =	vst v63  }
0x3f: {  	_ =	swait.ge [sflag:s19], $0x4000  }
0x40: {  	s25 =	simm.s32 $0x20;
	s24 =	simm.s32 $0x10;
	[sflag:s19] =	ssyncset.done $0x0  }
.LBB2_4:
0x41: {  	s26 =	sadd.s32 s24, s17  }
0x42: {  	[sflag:s19] =	ssyncadd.s32 $0xFFFFC000;
	s28 =	smov.u32 s25;
	s29 =	sadd.s32 $0x10, s25  }
0x43: {  	[tilespmem:s4], [sflag:$0x2] =	stream.linear.gather [hbm4b:s26+s4], $0x80, $0x38;
	[tilespmem:$0x1C100] =	vst v63  }
0x44: {  	p0 =	sne.s32 s25, $0x4E0;
	_ =	swait.ge [sflag:s19], $0x80  }
0x45: {  	[sflag:s19] =	ssyncset.done $0x0  }
0x46: {  	s25 =	sadd.s32 s24, s16;
	s24 =	smov.u32 s28;
	[sflag:s19] =	ssyncadd.s32 $0xFFFFFF80  }
0x47: {  	[tilespmem:s20], [sflag:$0x2] =	stream.linear.gather [hbm4b:s25+s4], $0x80, $0x38;
	[tilespmem:$0x1C100] =	vst v63  }
0x48: {  	_ =	swait.ge [sflag:s19], $0x80  }
0x49: {  	[sflag:s19] =	ssyncset.done $0x0  }
0x4a: {  	[sflag:s19] =	ssyncadd.s32 $0xFFFFFF80  }
0x4b: {  	[tilespmem:s21], [sflag:$0x1] =	stream.indirect.gather [hbm4b:s1+s20], $0x80, s4, s20, $0xb8;
	[tilespmem:$0x1C100] =	vst v63  }
0x4c: {  	_ =	swait.ge [sflag:s22], $0x4000  }
.Ltmp1:
0x4d: {  	[sflag:s22] =	ssyncset.done $0x0;
	(pc) =	sbr.rel @p0 .LBB2_4-.Ltmp1, $4  }
0x4e: {  	[sflag:s22] =	ssyncadd.s32 $0xFFFFC000  }
0x4f: {  	[spmem:s3] =	stream.indirect.scatter.add.f32 [tilespmem:s21], [sflag:$0x2], $0x80, s20, s20, $0xb8;
	[tilespmem:$0x1C100] =	vst v63  }
0x50: {  	_ =	swait.ge [sflag:s19], $0x4000  }
0x51: {  	s25 =	smov.u32 s29;
	[sflag:s19] =	ssyncset.done $0x0  }
0x52: {  	s25 =	sadd.s32 s24, s17;
	[sflag:s19] =	ssyncadd.s32 $0xFFFFC000  }
0x53: {  	[tilespmem:s4], [sflag:$0x2] =	stream.linear.gather [hbm4b:s25+s4], $0x80, $0x38;
	[tilespmem:$0x1C100] =	vst v63  }
0x54: {  	_ =	swait.ge [sflag:s19], $0x80  }
0x55: {  	[sflag:s19] =	ssyncset.done $0x0  }
0x56: {  	s31 =	sadd.s32 s24, s16;
	[sflag:s19] =	ssyncadd.s32 $0xFFFFFF80  }
0x57: {  	[tilespmem:s20], [sflag:$0x2] =	stream.linear.gather [hbm4b:s31+s4], $0x80, $0x38;
	[tilespmem:$0x1C100] =	vst v63  }
0x58: {  	_ =	swait.ge [sflag:s19], $0x80  }
0x59: {  	[sflag:s19] =	ssyncset.done $0x0  }
0x5a: {  	[sflag:s19] =	ssyncadd.s32 $0xFFFFFF80  }
0x5b: {  	[tilespmem:s21], [sflag:$0x1] =	stream.indirect.gather [hbm4b:s1+s20], $0x80, s4, s20, $0xb8;
	[tilespmem:$0x1C100] =	vst v63  }
0x5c: {  	_ =	swait.ge [sflag:s22], $0x4000  }
0x5d: {  	[sflag:s22] =	ssyncset.done $0x0  }
0x5e: {  	[sflag:s22] =	ssyncadd.s32 $0xFFFFC000  }
0x5f: {  	[spmem:s3] =	stream.indirect.scatter.add.f32 [tilespmem:s21], [sflag:$0x2], $0x80, s20, s20, $0xb8;
	[tilespmem:$0x1C100] =	vst v63  }
0x60: {  	_ =	swait.ge [sflag:s19], $0x4000  }
0x61: {  	[sflag:s19] =	ssyncset.done $0x0  }
0x62: {  	s25 =	sshll.u32 s2, $0x6;
	[sflag:s19] =	ssyncadd.s32 $0xFFFFC000  }
0x63: {  	s26 =	sshrl.u32 s5, $0x3;
	s24 =	sor.u32 $0x1C02, s25;
	[bflag:$0x0] =	sbarrier.arrive $0xFFFF  }
0x64: {  	[hbm:s6], [sflag:s24] =	dma.local [spmem:s26], $0x800  }
0x65: {  	_ =	swait.ge [sflag:s19], $0x800  }
0x66: {  	[sflag:s19] =	ssyncset.done $0x0  }
0x67: {  	s28 =	sshrl.u32 s8, $0x3;
	[sflag:s19] =	ssyncadd.s32 $0xFFFFF800  }
0x68: {  	[hbm:s12], [sflag:s24] =	dma.local [spmem:s28], $0x800  }
0x69: {  	_ =	swait.ge [sflag:s19], $0x800  }
0x6a: {  	[sflag:s19] =	ssyncset.done $0x0  }
0x6b: {  	s29 =	sshrl.u32 s9, $0x3;
	[sflag:s19] =	ssyncadd.s32 $0xFFFFF800  }
0x6c: {  	[hbm:s13], [sflag:s24] =	dma.local [spmem:s29], $0x800  }
0x6d: {  	_ =	swait.ge [sflag:s19], $0x800  }
0x6e: {  	[sflag:s19] =	ssyncset.done $0x0  }
0x6f: {  	s30 =	sshrl.u32 s10, $0x3;
	[sflag:s19] =	ssyncadd.s32 $0xFFFFF800  }
0x70: {  	[hbm:s14], [sflag:s24] =	dma.local [spmem:s30], $0x800  }
0x71: {  	s23 =	sadd.s32 $0x1, s23;
	_ =	swait.ge [sflag:s19], $0x800  }
0x72: {  	p0 =	sne.s32 s23, s7;
	[sflag:s19] =	ssyncset.done $0x0  }
.Ltmp2:
0x73: {  	s31 =	sshrl.u32 s11, $0x3;
	[sflag:s19] =	ssyncadd.s32 $0xFFFFF800;
	(pc) =	sbr.rel @p0 .LBB2_1-.Ltmp2, $4  }
0x74: {  	[hbm:s15], [sflag:s24] =	dma.local [spmem:s31], $0x800  }
0x75: {  	_ =	swait.ge [sflag:s19], $0x800  }
0x76: {  	[sflag:s19] =	ssyncset.done $0x0  }
0x77: {  	[sflag:s19] =	ssyncadd.s32 $0xFFFFF800  }
0x78: {  	_ =	sfence.sel $0x180000  }
0x79: {  	[bflag:$0x0] =	sbarrier.arrive $0xFFFF  }
0x7a: {  	p0 =	sne.s32 s2, $0x0;
	_ =	strace $0x9000004A  }
0x7b: {  	s0 =	sadd.s32 @!p0 $0x100000, s0;
	[bflag:$0x2] =	sbarrier.arrive $0xFFFF  }
0x7c: {  	[sflag:s0] =	ssyncadd.tile.s32 @!p0 $0x1;
	_ =	shalt  }
.Lfunc_end2:
_tile_overlayer_lowered:
.L_overlay_start_2:
0x7d: {  	(tag) =	ssettag $0x2  }
0x7e: {  	s0 =	rddreg [dreg:$0x0];
	s2 =	stileid.u32  }
0x7f: {  	s1 =	rddreg [dreg:$0x1];
	p0 =	sne.s32 s2, $0x0  }
0x80: {  	s3 =	rddreg [dreg:$0x2];
	[bflag:$0x3] =	sbarrier.arrive $0xFFFF;
	s2 =	simm.s32 @!p0 $0x1C02  }
0x81: {  	[timem:s3], [sflag:s2] =	dma.local @!p0 [hbm:s0], s1  }
0x82: {  	s0 =	simm.s32 @!p0 $0x2  }
0x83: {  	_ =	swait.ge @!p0 [sflag:s0], s1  }
0x84: {  	s1 =	ssub.s32 @!p0 $0x0, s1;
	[sflag:s0] =	ssyncset.done @!p0 $0x0  }
0x85: {  	[sflag:s0] =	ssyncadd.s32 @!p0 s1  }
0x86: {  	[bflag:$0x3] =	sbarrier.arrive $0xFFFF  }
0x87: {  	_ =	shalt  }

// kernel: kernel.14.cloned.1.call-start
scs
__scs_entry_jumppad:
0x0: {  	(pc) =	sbr.rel $0x88, $3  }
0x1: {  	(tag) =	ssettag $0x0;
	lr =	simm.s32 $0x1  }
0x2: {  	[smem:$0x3F9B] =	sst lr;
	_ =	strace $0xD0000000  }
0x3: {  	_ = 	snop  }
0x4: {  	_ = 	snop  }
0x5: {  	_ = 	snop  }
0x6: {  	_ = 	snop  }
0x7: {  	_ = 	snop  }
__scs_overlays_trampoline_lowered:
0x8: {  	[smem:$0x3FAA] =	sst s0  }
0x9: {  	[smem:$0x3FAB] =	sst s1  }
0xa: {  	[smem:$0x3FAC] =	sst s2  }
0xb: {  	[smem:$0x3FAD] =	sst s3  }
0xc: {  	[smem:$0x3FAE] =	sst s4  }
0xd: {  	[smem:$0x3FAF] =	sst s5  }
0xe: {  	[smem:$0x3FB0] =	sst s6  }
0xf: {  	[smem:$0x3FB1] =	sst s7  }
0x10: {  	[smem:$0x3FB2] =	sst s8  }
0x11: {  	[smem:$0x3FB3] =	sst s9;
	s0 =	simm.s32 @!p0 $0x0  }
0x12: {  	s1 =	sld [smem:$0x3F99];
	s0 =	simm.s32 @p0 $0x1  }
0x13: {  	[smem:$0x3FB4] =	sst s0;
	s0 =	simm.s32 @!p1 $0x0  }
0x14: {  	s2 =	sld [smem:$0x3F98];
	s0 =	simm.s32 @p1 $0x1  }
0x15: {  	[smem:$0x3FB5] =	sst s0;
	s0 =	simm.s32 @!p2 $0x0  }
0x16: {  	s3 =	sld [smem:$0x3FDB];
	s0 =	simm.s32 @p2 $0x1  }
0x17: {  	s4 =	simm.s32 $0x1BF5;
	[smem:$0x3FB7] =	sst s0  }
0x18: {  	s0 =	sld [smem:$0x3F9A];
	_ =	swait.ge [sflag:s4], $0x0  }
0x19: {  	s7 =	sld [smem:$0x3F9B]  }
0x1a: {  	s8 =	sadd.s32 $0xFFFFE003, lr  }
0x1b: {  	s9 =	sadd.s32 $0xFFFFFEF7, lr;
	s5 =	simm.s32 $0xFFFFFFFF;
	p2 =	slt.u32 s8, $0xFFFFF086  }
0x1c: {  	p1 =	slt.u32 s9, $0xF7A;
	s5 =	simm.s32 @!p2 $0x0  }
0x1d: {  	s5 =	simm.s32 @p1 $0x1;
	p0 =	seq.s32 s7, s2  }
0x1e: {  	s7 =	smul.u32 @!p0 $0xF7A, s2;
	p2 =	seq.s32 @!p0 s5, $0x0  }
0x1f: {  	s9 =	smul.u32 $0xF7A, s1;
	s8 =	simm.s32 @!p0 $0x1BF5;
	p2 =	por !p2, p0  }
0x20: {  	[sflag:s8] =	ssyncset.s32 @!p0 $0xFFFFF086;
	s6 =	sadd.s32 @!p0 s3, s7;
	s7 =	simm.s32 @!p0 $0x108  }
0x21: {  	s3 =	sadd.s32 s3, s9;
	s6 =	sadd.s32 @!p0 $0x88, s6;
	s7 =	simm.s32 @p2 $0x1082  }
0x22: {  	[simem:s7], [sflag:s8] =	dma.local @!p0 [hbm:s6], $0xF7A  }
0x23: {  	s9 =	sor.u32 $0xD0000000, s2;
	s6 =	simm.s32 $0x108;
	_ =	swait.ge @!p0 [sflag:s8], $0x0  }
0x24: {  	s3 =	sadd.s32 $0x88, s3;
	s6 =	simm.s32 @!p1 $0x1082;
	[sflag:s4] =	ssyncset.s32 $0xFFFFF086  }
0x25: {  	[simem:s6], [sflag:s4] =	dma.local [hbm:s3], $0xF7A  }
0x26: {  	[smem:$0x3F9B] =	sst s1;
	(tag) =	ssettag s2;
	_ =	strace s9  }
0x27: {  	s1 =	sld [smem:$0x3FAB]  }
0x28: {  	s2 =	sld [smem:$0x3FAC]  }
0x29: {  	s4 =	sld [smem:$0x3FAE]  }
0x2a: {  	p0 =	seq.s32 s5, $0x0;
	s5 =	sld [smem:$0x3FAF]  }
0x2b: {  	s6 =	sld [smem:$0x3FB0]  }
0x2c: {  	s7 =	sld [smem:$0x3FB1]  }
0x2d: {  	s3 =	simm.s32 $0x108;
	s8 =	sld [smem:$0x3FB2]  }
0x2e: {  	s3 =	simm.s32 @!p0 $0x1082;
	s9 =	sld [smem:$0x3FB3]  }
0x2f: {  	lr =	sadd.s32 s0, s3;
	s0 =	sld [smem:$0x3FAA]  }
0x30: {  	s3 =	sld [smem:$0x3FAD]  }
0x31: {  	[smem:$0x3FB6] =	sst s10  }
0x32: {  	s10 =	sld [smem:$0x3FB4];
	_ =	sdelay $0x3  }
0x33: {  	p0 =	seq.s32 s10, $0x1;
	s10 =	sld [smem:$0x3FB6];
	_ =	sdelay $0x3  }
0x34: {  	[smem:$0x3FB6] =	sst s10  }
0x35: {  	s10 =	sld [smem:$0x3FB5];
	_ =	sdelay $0x3  }
0x36: {  	p1 =	seq.s32 s10, $0x1;
	s10 =	sld [smem:$0x3FB6];
	_ =	sdelay $0x3  }
0x37: {  	[smem:$0x3FB6] =	sst s10  }
0x38: {  	s10 =	sld [smem:$0x3FB7]  }
0x39: {  	_ = 	snop;
	(pc) =	sbr.ind lr, $3  }
0x3a: {  	_ = 	snop  }
0x3b: {  	_ = 	snop  }
0x3c: {  	p2 =	seq.s32 s10, $0x1;
	s10 =	sld [smem:$0x3FB6]  }
0x3d: {  	_ =	shalt  }
0x3e: {  	_ =	shalt  }
0x3f: {  	_ =	shalt  }
0x40: {  	_ =	shalt  }
0x41: {  	_ =	shalt  }
0x42: {  	_ =	shalt  }
0x43: {  	_ =	shalt  }
0x44: {  	_ =	shalt  }
0x45: {  	_ =	shalt  }
0x46: {  	_ =	shalt  }
0x47: {  	_ =	shalt  }
0x48: {  	_ =	shalt  }
0x49: {  	_ =	shalt  }
0x4a: {  	_ =	shalt  }
0x4b: {  	_ =	shalt  }
0x4c: {  	_ =	shalt  }
0x4d: {  	_ =	shalt  }
0x4e: {  	_ =	shalt  }
0x4f: {  	_ =	shalt  }
0x50: {  	_ =	shalt  }
0x51: {  	_ =	shalt  }
0x52: {  	_ =	shalt  }
0x53: {  	_ =	shalt  }
0x54: {  	_ =	shalt  }
0x55: {  	_ =	shalt  }
0x56: {  	_ =	shalt  }
0x57: {  	_ =	shalt  }
0x58: {  	_ =	shalt  }
0x59: {  	_ =	shalt  }
0x5a: {  	_ =	shalt  }
0x5b: {  	_ =	shalt  }
0x5c: {  	_ =	shalt  }
0x5d: {  	_ =	shalt  }
0x5e: {  	_ =	shalt  }
0x5f: {  	_ =	shalt  }
0x60: {  	_ =	shalt  }
0x61: {  	_ =	shalt  }
0x62: {  	_ =	shalt  }
0x63: {  	_ =	shalt  }
0x64: {  	_ =	shalt  }
0x65: {  	_ =	shalt  }
0x66: {  	_ =	shalt  }
0x67: {  	_ =	shalt  }
0x68: {  	_ =	shalt  }
0x69: {  	_ =	shalt  }
0x6a: {  	_ =	shalt  }
0x6b: {  	_ =	shalt  }
0x6c: {  	_ =	shalt  }
0x6d: {  	_ =	shalt  }
0x6e: {  	_ =	shalt  }
0x6f: {  	_ =	shalt  }
0x70: {  	_ =	shalt  }
0x71: {  	_ =	shalt  }
0x72: {  	_ =	shalt  }
0x73: {  	_ =	shalt  }
0x74: {  	_ =	shalt  }
0x75: {  	_ =	shalt  }
0x76: {  	_ =	shalt  }
0x77: {  	_ =	shalt  }
0x78: {  	_ =	shalt  }
0x79: {  	_ =	shalt  }
0x7a: {  	_ =	shalt  }
0x7b: {  	_ =	shalt  }
0x7c: {  	_ =	shalt  }
0x7d: {  	_ =	shalt  }
0x7e: {  	_ =	shalt  }
0x7f: {  	_ =	shalt  }
0x80: {  	_ =	shalt  }
0x81: {  	_ =	shalt  }
0x82: {  	_ =	shalt  }
0x83: {  	_ =	shalt  }
0x84: {  	_ =	shalt  }
0x85: {  	_ =	shalt  }
0x86: {  	_ =	shalt  }
0x87: {  	_ =	shalt  }
.Lfunc_end0:
.L_simem_size_0:
called_computation.2_lowered:
.L_overlay_start_0:
0x88: {  	s2 =	sld [smem:$0x3FD9]  }
0x89: {  	s3 =	sld [smem:$0x3FFE];
	_ =	sdelay $0x1  }
0x8a: {  	s1 =	srdreg.scid  }
0x8b: {  	s0 =	sand.u32 $0x1, s1  }
0x8c: {  	s17 =	sshll.u32 s0, $0xA;
	s2 =	sadd.s32 s3, s2  }
0x8d: {  	s2 =	sadd.s32 s2, s17  }
0x8e: {  	[smem:$0x3FC2] =	sst s2  }
0x8f: {  	_ = 	snop  }
0x90: {  	s2 =	sld [smem:$0x3FD0];
	(tm) =	ssettm $0x1  }
0x91: {  	s18 =	sld [smem:$0x3FFB];
	_ =	sdelay $0x3  }
0x92: {  	_ =	strace s18  }
0x93: {  	s3 =	sld [smem:$0x3FFC];
	_ =	sdelay $0x3  }
0x94: {  	_ =	strace s3  }
0x95: {  	s3 =	sld [smem:$0x3FFD];
	_ =	sdelay $0x3  }
0x96: {  	_ =	strace s3  }
0x97: {  	_ =	strace $0x8FFFFFFF  }
0x98: {  	s19 =	sld [smem:$0x3FDB];
	_ =	sdelay $0x1  }
0x99: {  	s4 =	simm.s32 $_scs_section_size  }
0x9a: {  	s5 =	simm.s32 $_size__tile_overlayer_lowered;
	s6 =	simm.s32 $_tile_overlayer_lowered  }
0x9b: {  	s22 =	simm.s32 $0x1BFF;
	s21 =	sshll.u32 s6, $0x1;
	s3 =	sadd.s32 s4, s19  }
0x9c: {  	s7 =	simm.s32 $0x0;
	s20 =	sshll.u32 s5, $0x1;
	s5 =	sadd.s32 s21, s3  }
0x9d: {  	[timem:s7], [sflag:s22] =	dma.local [hbm:s5], s20  }
0x9e: {  	_ =	swait.ge [sflag:s22], s20  }
0x9f: {  	s4 =	ssub.s32 $0x0, s20;
	[sflag:s22] =	ssyncset.done $0x0  }
0xa0: {  	[sflag:s22] =	ssyncadd.s32 s4;
	_ =	sdelay $0x1  }
0xa1: {  	s23 =	simm.s32 $0x1B8B  }
0xa2: {  	_ =	swait.ge [sflag:s23], $0x1  }
0xa3: {  	[sflag:s23] =	ssyncset.done $0x0  }
0xa4: {  	s25 =	simm.s32 $0x1B8E;
	s24 =	sld [smem:$0x3FFE];
	[sflag:s23] =	ssyncadd.s32 $0xFFFFFFFF  }
0xa5: {  	s26 =	simm.s32 $execute0_lowered;
	[smem:$0x3FD2] =	sst s25  }
0xa6: {  	s5 =	sshll.u32 s26, $0x1;
	_ =	strace $0x8000004C;
	[dreg:$0x1] =	wrdreg $0xFFFFFFFF  }
0xa7: {  	s28 =	simm.s32 $_size_execute0_lowered;
	s3 =	sadd.s32 s3, s5;
	[dreg:$0x0] =	wrdreg $0x0  }
0xa8: {  	s5 =	sshll.u32 s28, $0x1;
	[dreg:$0x2] =	wrdreg s3  }
0xa9: {  	[dreg:$0x3] =	wrdreg s5  }
0xaa: {  	[dreg:$0x4] =	wrdreg $0xC0  }
0xab: {  	_ =	task [dreg:s7], $0x5FFFF  }
0xac: {  	[dreg:$0x1] =	wrdreg $0xFFFFFFFF  }
0xad: {  	[dreg:$0x0] =	wrdreg $0x60  }
0xae: {  	[dreg:$0x2] =	wrdreg s2  }
0xaf: {  	[dreg:$0x3] =	wrdreg s24  }
0xb0: {  	[dreg:$0x4] =	wrdreg $0x81000  }
0xb1: {  	[dreg:$0x5] =	wrdreg $0x9  }
0xb2: {  	_ =	task.clear_ibuf [dreg:s7], $0x6FFFF;
	_ =	strace $0x9000004C  }
0xb3: {  	s29 =	simm.s32 $0x9;
	_ =	strace $0x8000004E  }
0xb4: {  	_ =	swait.ge [sflag:s29], $0x1  }
0xb5: {  	[sflag:s29] =	ssyncadd.s32 $0xFFFFFFFF  }
0xb6: {  	_ =	strace $0x9000004E  }
0xb7: {  	_ =	sfence  }
0xb8: {  	s30 =	sld [smem:$0x0];
	_ =	sdelay $0x2  }
0xb9: {  	s31 =	sshll.u32 s1, $0xD;
	s1 =	sshrl.u32 s1, $0x2  }
0xba: {  	s3 =	sand.u32 $0x4000, s31;
	s1 =	sadd.s32 s1, s30  }
0xbb: {  	s0 =	sor.u32 s3, s0;
	s1 =	sshll.u32 s1, $0x11  }
0xbc: {  	s0 =	sor.u32 s1, s0  }
0xbd: {  	s0 =	sadd.s32 $0x8F2B, s0  }
0xbe: {  	[sflag:s0] =	ssyncadd.remote.s32 $0x1  }
0xbf: {  	_ =	sfence.sel $0xFFFF  }
0xc0: {  	[dreg:$0x0] =	wrdreg $0xFFFFFFFF;
	(pc) =	sbr.abs _section_cstart, $3  }
0xc1: {  	[dreg:$0x1] =	wrdreg $0xFFFFFFFF  }
0xc2: {  	_ =	task.clear_ibuf [dreg:s7], $0x2FFFF;
	_ =	strace $0x9FFFFFFF  }
0xc3: {  	(tm) =	ssettm $0x7FFFFFFF  }
tec
execute0_lowered:
.L_overlay_start_1:
0x0: {  	(tag) =	ssettag $0x1  }
0x1: {  	s1 =	rddreg [dreg:$0x0]  }
0x2: {  	s5 =	rddreg [dreg:$0x1]  }
0x3: {  	s3 =	rddreg [dreg:$0x2]  }
0x4: {  	s0 =	rddreg [dreg:$0x3]  }
0x5: {  	s6 =	srdreg.scid;
	s2 =	stileid.u32;
	s4 =	simm.s32 $0x0  }
0x6: {  	s18 =	simm.s32 $0x4100;
	s19 =	simm.s32 $0x2;
	s7 =	smul.u32 $0x280, s2  }
0x7: {  	s20 =	simm.s32 $0x80;
	s21 =	simm.s32 $0x100;
	s28 =	smul.u32 $0x50000, s2  }
0x8: {  	s22 =	simm.s32 $0x1;
	s6 =	sand.u32 $0x1, s6;
	s17 =	smul.u32 $0x4F0, s2  }
0x9: {  	s23 =	simm.s32 $0x0;
	[smem:$0x7FF] =	sst s4;
	s8 =	smul.u32 $0x2800, s6  }
0xa: {  	_ =	strace $0x8000004D;
	s9 =	smul.u32 $0x4F00, s6;
	s6 =	ssub.s32 $0x2, s6  }
0xb: {  	s29 =	sshrl.u32 s6, $0x1;
	s31 =	sshrl.u32 s28, $0x2;
	s7 =	sadd.s32 s8, s7  }
0xc: {  	s15 =	sadd.s32 s9, s5;
	s30 =	ssub.s32 s6, s29;
	s7 =	sshll.u32 s7, $0x4  }
0xd: {  	s17 =	sadd.s32 s17, s15;
	s16 =	sadd.s32 s7, s5;
	s5 =	sadd.s32 s31, s3  }
0xe: {  	s7 =	smax.u32 s30, $0x1;
	s6 =	sadd.s32 $0xB600, s16;
	s8 =	sadd.s32 $0x4000, s5  }
0xf: {  	s9 =	sadd.s32 $0x8000, s5;
	s10 =	sadd.s32 $0xC000, s5;
	s11 =	sadd.s32 $0x10000, s5  }
0x10: {  	s12 =	sadd.s32 $0xBE00, s16;
	s13 =	sadd.s32 $0xC600, s16;
	s14 =	sadd.s32 $0xCE00, s16  }
0x11: {  	v0 =	vimm.f32 $0.0e+00;
	s15 =	sadd.s32 $0xD600, s16;
	s16 =	sadd.s32 $0x1800, s17;
	s17 =	sadd.s32 $0x5B600, s17  }
.LBB2_1:
0x12: {  	s24 =	sand.u32 $0xFE00, s4  }
0x13: {  	s25 =	sand.u32 $0x70, s4;
	s26 =	sshrl.u32 s24, $0x2  }
0x14: {  	s24 =	simm.s32 $0x40;
	s26 =	sor.u32 s25, s26;
	s25 =	simm.s32 $0x0  }
.LBB2_2:
0x15: {  	p0 =	sne.s32 s24, $0xFFC0  }
0x16: {  	[tilespmem:s26+$0x4100] =	vst v0;
	s25 =	sadd.s32 $0x10, s25;
	s26 =	smov.u32 s24;
	s24 =	sadd.s32 $0x40, s24  }
.Ltmp0:
0x17: {  	(pc) =	sbr.rel @p0 .LBB2_2-.Ltmp0, $4  }
0x18: {  	_ = 	snop  }
0x19: {  	s26 =	sand.u32 $0xFE00, s26  }
0x1a: {  	s28 =	sand.u32 $0x70, s25;
	s26 =	sshrl.u32 s26, $0x2  }
0x1b: {  	s26 =	sor.u32 s28, s26  }
0x1c: {  	[tilespmem:s26+$0x4100] =	vst v0  }
0x1d: {  	[spmem:s5] =	stream.linear.scatter [tilespmem:s18], [sflag:$0x2], $0x4000, $0x38;
	[tilespmem:$0x1C100] =	vst v63  }
0x1e: {  	_ =	swait.ge [sflag:s19], $0x4000  }
0x1f: {  	[sflag:s19] =	ssyncset.done $0x0  }
0x20: {  	[sflag:s19] =	ssyncadd.s32 $0xFFFFC000  }
0x21: {  	[spmem:s8] =	stream.linear.scatter [tilespmem:s18], [sflag:$0x2], $0x4000, $0x38;
	[tilespmem:$0x1C100] =	vst v63  }
0x22: {  	_ =	swait.ge [sflag:s19], $0x4000  }
0x23: {  	[sflag:s19] =	ssyncset.done $0x0  }
0x24: {  	[sflag:s19] =	ssyncadd.s32 $0xFFFFC000  }
0x25: {  	[spmem:s9] =	stream.linear.scatter [tilespmem:s18], [sflag:$0x2], $0x4000, $0x38;
	[tilespmem:$0x1C100] =	vst v63  }
0x26: {  	_ =	swait.ge [sflag:s19], $0x4000  }
0x27: {  	[sflag:s19] =	ssyncset.done $0x0  }
0x28: {  	[sflag:s19] =	ssyncadd.s32 $0xFFFFC000  }
0x29: {  	[spmem:s10] =	stream.linear.scatter [tilespmem:s18], [sflag:$0x2], $0x4000, $0x38;
	[tilespmem:$0x1C100] =	vst v63  }
0x2a: {  	_ =	swait.ge [sflag:s19], $0x4000  }
0x2b: {  	[sflag:s19] =	ssyncset.done $0x0  }
0x2c: {  	[sflag:s19] =	ssyncadd.s32 $0xFFFFC000  }
0x2d: {  	[spmem:s11] =	stream.linear.scatter [tilespmem:s18], [sflag:$0x2], $0x4000, $0x38;
	[tilespmem:$0x1C100] =	vst v63  }
0x2e: {  	_ =	swait.ge [sflag:s19], $0x4000  }
0x2f: {  	[sflag:s19] =	ssyncset.done $0x0  }
0x30: {  	[sflag:s19] =	ssyncadd.s32 $0xFFFFC000  }
0x31: {  	s24 =	sadd.s32 $0x0, s17;
	[bflag:$0x0] =	sbarrier.arrive $0xFFFF  }
0x32: {  	[tilespmem:s4], [sflag:$0x2] =	stream.linear.gather [hbm4b:s24+s4], $0x80, $0x38;
	[tilespmem:$0x1C100] =	vst v63  }
0x33: {  	_ =	swait.ge [sflag:s19], $0x80  }
0x34: {  	[sflag:s19] =	ssyncset.done $0x0  }
0x35: {  	s31 =	sadd.s32 $0x0, s16;
	[sflag:s19] =	ssyncadd.s32 $0xFFFFFF80  }
0x36: {  	[tilespmem:s20], [sflag:$0x2] =	stream.linear.gather [hbm4b:s31+s4], $0x80, $0x38;
	[tilespmem:$0x1C100] =	vst v63  }
0x37: {  	_ =	swait.ge [sflag:s19], $0x80  }
0x38: {  	[sflag:s19] =	ssyncset.done $0x0  }
0x39: {  	[sflag:s19] =	ssyncadd.s32 $0xFFFFFF80  }
0x3a: {  	[tilespmem:s21], [sflag:$0x1] =	stream.indirect.gather [hbm4b:s1+s20], $0x80, s4, s20, $0xb8;
	[tilespmem:$0x1C100] =	vst v63  }
0x3b: {  	_ =	swait.ge [sflag:s22], $0x4000  }
0x3c: {  	[sflag:s22] =	ssyncset.done $0x0  }
0x3d: {  	[sflag:s22] =	ssyncadd.s32 $0xFFFFC000  }
0x3e: {  	[spmem:s3] =	stream.indirect.scatter.add.f32 [tilespmem:s21], [sflag:$0x2], $0x80, s20, s20, $0xb8;
	[tilespmem:$0x1C100] =	vst v63  }
0x3f: {  	_ =	swait.ge [sflag:s19], $0x4000  }
0x40: {  	s25 =	simm.s32 $0x20;
	s24 =	simm.s32 $0x10;
	[sflag:s19] =	ssyncset.done $0x0  }
.LBB2_4:
0x41: {  	s26 =	sadd.s32 s24, s17  }
0x42: {  	[sflag:s19] =	ssyncadd.s32 $0xFFFFC000;
	s28 =	smov.u32 s25;
	s29 =	sadd.s32 $0x10, s25  }
0x43: {  	[tilespmem:s4], [sflag:$0x2] =	stream.linear.gather [hbm4b:s26+s4], $0x80, $0x38;
	[tilespmem:$0x1C100] =	vst v63  }
0x44: {  	p0 =	sne.s32 s25, $0x4E0;
	_ =	swait.ge [sflag:s19], $0x80  }
0x45: {  	[sflag:s19] =	ssyncset.done $0x0  }
0x46: {  	s25 =	sadd.s32 s24, s16;
	s24 =	smov.u32 s28;
	[sflag:s19] =	ssyncadd.s32 $0xFFFFFF80  }
0x47: {  	[tilespmem:s20], [sflag:$0x2] =	stream.linear.gather [hbm4b:s25+s4], $0x80, $0x38;
	[tilespmem:$0x1C100] =	vst v63  }
0x48: {  	_ =	swait.ge [sflag:s19], $0x80  }
0x49: {  	[sflag:s19] =	ssyncset.done $0x0  }
0x4a: {  	[sflag:s19] =	ssyncadd.s32 $0xFFFFFF80  }
0x4b: {  	[tilespmem:s21], [sflag:$0x1] =	stream.indirect.gather [hbm4b:s1+s20], $0x80, s4, s20, $0xb8;
	[tilespmem:$0x1C100] =	vst v63  }
0x4c: {  	_ =	swait.ge [sflag:s22], $0x4000  }
.Ltmp1:
0x4d: {  	[sflag:s22] =	ssyncset.done $0x0;
	(pc) =	sbr.rel @p0 .LBB2_4-.Ltmp1, $4  }
0x4e: {  	[sflag:s22] =	ssyncadd.s32 $0xFFFFC000  }
0x4f: {  	[spmem:s3] =	stream.indirect.scatter.add.f32 [tilespmem:s21], [sflag:$0x2], $0x80, s20, s20, $0xb8;
	[tilespmem:$0x1C100] =	vst v63  }
0x50: {  	_ =	swait.ge [sflag:s19], $0x4000  }
0x51: {  	s25 =	smov.u32 s29;
	[sflag:s19] =	ssyncset.done $0x0  }
0x52: {  	s25 =	sadd.s32 s24, s17;
	[sflag:s19] =	ssyncadd.s32 $0xFFFFC000  }
0x53: {  	[tilespmem:s4], [sflag:$0x2] =	stream.linear.gather [hbm4b:s25+s4], $0x80, $0x38;
	[tilespmem:$0x1C100] =	vst v63  }
0x54: {  	_ =	swait.ge [sflag:s19], $0x80  }
0x55: {  	[sflag:s19] =	ssyncset.done $0x0  }
0x56: {  	s31 =	sadd.s32 s24, s16;
	[sflag:s19] =	ssyncadd.s32 $0xFFFFFF80  }
0x57: {  	[tilespmem:s20], [sflag:$0x2] =	stream.linear.gather [hbm4b:s31+s4], $0x80, $0x38;
	[tilespmem:$0x1C100] =	vst v63  }
0x58: {  	_ =	swait.ge [sflag:s19], $0x80  }
0x59: {  	[sflag:s19] =	ssyncset.done $0x0  }
0x5a: {  	[sflag:s19] =	ssyncadd.s32 $0xFFFFFF80  }
0x5b: {  	[tilespmem:s21], [sflag:$0x1] =	stream.indirect.gather [hbm4b:s1+s20], $0x80, s4, s20, $0xb8;
	[tilespmem:$0x1C100] =	vst v63  }
0x5c: {  	_ =	swait.ge [sflag:s22], $0x4000  }
0x5d: {  	[sflag:s22] =	ssyncset.done $0x0  }
0x5e: {  	[sflag:s22] =	ssyncadd.s32 $0xFFFFC000  }
0x5f: {  	[spmem:s3] =	stream.indirect.scatter.add.f32 [tilespmem:s21], [sflag:$0x2], $0x80, s20, s20, $0xb8;
	[tilespmem:$0x1C100] =	vst v63  }
0x60: {  	_ =	swait.ge [sflag:s19], $0x4000  }
0x61: {  	[sflag:s19] =	ssyncset.done $0x0  }
0x62: {  	s25 =	sshll.u32 s2, $0x6;
	[sflag:s19] =	ssyncadd.s32 $0xFFFFC000  }
0x63: {  	s26 =	sshrl.u32 s5, $0x3;
	s24 =	sor.u32 $0x1C02, s25;
	[bflag:$0x0] =	sbarrier.arrive $0xFFFF  }
0x64: {  	[hbm:s6], [sflag:s24] =	dma.local [spmem:s26], $0x800  }
0x65: {  	_ =	swait.ge [sflag:s19], $0x800  }
0x66: {  	[sflag:s19] =	ssyncset.done $0x0  }
0x67: {  	s28 =	sshrl.u32 s8, $0x3;
	[sflag:s19] =	ssyncadd.s32 $0xFFFFF800  }
0x68: {  	[hbm:s12], [sflag:s24] =	dma.local [spmem:s28], $0x800  }
0x69: {  	_ =	swait.ge [sflag:s19], $0x800  }
0x6a: {  	[sflag:s19] =	ssyncset.done $0x0  }
0x6b: {  	s29 =	sshrl.u32 s9, $0x3;
	[sflag:s19] =	ssyncadd.s32 $0xFFFFF800  }
0x6c: {  	[hbm:s13], [sflag:s24] =	dma.local [spmem:s29], $0x800  }
0x6d: {  	_ =	swait.ge [sflag:s19], $0x800  }
0x6e: {  	[sflag:s19] =	ssyncset.done $0x0  }
0x6f: {  	s30 =	sshrl.u32 s10, $0x3;
	[sflag:s19] =	ssyncadd.s32 $0xFFFFF800  }
0x70: {  	[hbm:s14], [sflag:s24] =	dma.local [spmem:s30], $0x800  }
0x71: {  	s23 =	sadd.s32 $0x1, s23;
	_ =	swait.ge [sflag:s19], $0x800  }
0x72: {  	p0 =	sne.s32 s23, s7;
	[sflag:s19] =	ssyncset.done $0x0  }
.Ltmp2:
0x73: {  	s31 =	sshrl.u32 s11, $0x3;
	[sflag:s19] =	ssyncadd.s32 $0xFFFFF800;
	(pc) =	sbr.rel @p0 .LBB2_1-.Ltmp2, $4  }
0x74: {  	[hbm:s15], [sflag:s24] =	dma.local [spmem:s31], $0x800  }
0x75: {  	_ =	swait.ge [sflag:s19], $0x800  }
0x76: {  	[sflag:s19] =	ssyncset.done $0x0  }
0x77: {  	[sflag:s19] =	ssyncadd.s32 $0xFFFFF800  }
0x78: {  	_ =	sfence.sel $0x180000  }
0x79: {  	[bflag:$0x0] =	sbarrier.arrive $0xFFFF  }
0x7a: {  	p0 =	sne.s32 s2, $0x0;
	_ =	strace $0x9000004D  }
0x7b: {  	s0 =	sadd.s32 @!p0 $0x100000, s0;
	[bflag:$0x2] =	sbarrier.arrive $0xFFFF  }
0x7c: {  	[sflag:s0] =	ssyncadd.tile.s32 @!p0 $0x1;
	_ =	shalt  }
.Lfunc_end2:
_tile_overlayer_lowered:
.L_overlay_start_2:
0x7d: {  	(tag) =	ssettag $0x2  }
0x7e: {  	s0 =	rddreg [dreg:$0x0];
	s2 =	stileid.u32  }
0x7f: {  	s1 =	rddreg [dreg:$0x1];
	p0 =	sne.s32 s2, $0x0  }
0x80: {  	s3 =	rddreg [dreg:$0x2];
	[bflag:$0x3] =	sbarrier.arrive $0xFFFF;
	s2 =	simm.s32 @!p0 $0x1C02  }
0x81: {  	[timem:s3], [sflag:s2] =	dma.local @!p0 [hbm:s0], s1  }
0x82: {  	s0 =	simm.s32 @!p0 $0x2  }
0x83: {  	_ =	swait.ge @!p0 [sflag:s0], s1  }
0x84: {  	s1 =	ssub.s32 @!p0 $0x0, s1;
	[sflag:s0] =	ssyncset.done @!p0 $0x0  }
0x85: {  	[sflag:s0] =	ssyncadd.s32 @!p0 s1  }
0x86: {  	[bflag:$0x3] =	sbarrier.arrive $0xFFFF  }
0x87: {  	_ =	shalt  }

// kernel: kernel.8.cloned.1.call-start
scs
__scs_entry_jumppad:
0x0: {  	(pc) =	sbr.rel $0x88, $3  }
0x1: {  	(tag) =	ssettag $0x0;
	lr =	simm.s32 $0x1  }
0x2: {  	[smem:$0x3F9B] =	sst lr;
	_ =	strace $0xD0000000  }
0x3: {  	_ = 	snop  }
0x4: {  	_ = 	snop  }
0x5: {  	_ = 	snop  }
0x6: {  	_ = 	snop  }
0x7: {  	_ = 	snop  }
__scs_overlays_trampoline_lowered:
0x8: {  	[smem:$0x3FAA] =	sst s0  }
0x9: {  	[smem:$0x3FAB] =	sst s1  }
0xa: {  	[smem:$0x3FAC] =	sst s2  }
0xb: {  	[smem:$0x3FAD] =	sst s3  }
0xc: {  	[smem:$0x3FAE] =	sst s4  }
0xd: {  	[smem:$0x3FAF] =	sst s5  }
0xe: {  	[smem:$0x3FB0] =	sst s6  }
0xf: {  	[smem:$0x3FB1] =	sst s7  }
0x10: {  	[smem:$0x3FB2] =	sst s8  }
0x11: {  	[smem:$0x3FB3] =	sst s9;
	s0 =	simm.s32 @!p0 $0x0  }
0x12: {  	s1 =	sld [smem:$0x3F99];
	s0 =	simm.s32 @p0 $0x1  }
0x13: {  	[smem:$0x3FB4] =	sst s0;
	s0 =	simm.s32 @!p1 $0x0  }
0x14: {  	s2 =	sld [smem:$0x3F98];
	s0 =	simm.s32 @p1 $0x1  }
0x15: {  	[smem:$0x3FB5] =	sst s0;
	s0 =	simm.s32 @!p2 $0x0  }
0x16: {  	s3 =	sld [smem:$0x3FDB];
	s0 =	simm.s32 @p2 $0x1  }
0x17: {  	s4 =	simm.s32 $0x1BF5;
	[smem:$0x3FB7] =	sst s0  }
0x18: {  	s0 =	sld [smem:$0x3F9A];
	_ =	swait.ge [sflag:s4], $0x0  }
0x19: {  	s7 =	sld [smem:$0x3F9B]  }
0x1a: {  	s8 =	sadd.s32 $0xFFFFE003, lr  }
0x1b: {  	s9 =	sadd.s32 $0xFFFFFEF7, lr;
	s5 =	simm.s32 $0xFFFFFFFF;
	p2 =	slt.u32 s8, $0xFFFFF086  }
0x1c: {  	p1 =	slt.u32 s9, $0xF7A;
	s5 =	simm.s32 @!p2 $0x0  }
0x1d: {  	s5 =	simm.s32 @p1 $0x1;
	p0 =	seq.s32 s7, s2  }
0x1e: {  	s7 =	smul.u32 @!p0 $0xF7A, s2;
	p2 =	seq.s32 @!p0 s5, $0x0  }
0x1f: {  	s9 =	smul.u32 $0xF7A, s1;
	s8 =	simm.s32 @!p0 $0x1BF5;
	p2 =	por !p2, p0  }
0x20: {  	[sflag:s8] =	ssyncset.s32 @!p0 $0xFFFFF086;
	s6 =	sadd.s32 @!p0 s3, s7;
	s7 =	simm.s32 @!p0 $0x108  }
0x21: {  	s3 =	sadd.s32 s3, s9;
	s6 =	sadd.s32 @!p0 $0x88, s6;
	s7 =	simm.s32 @p2 $0x1082  }
0x22: {  	[simem:s7], [sflag:s8] =	dma.local @!p0 [hbm:s6], $0xF7A  }
0x23: {  	s9 =	sor.u32 $0xD0000000, s2;
	s6 =	simm.s32 $0x108;
	_ =	swait.ge @!p0 [sflag:s8], $0x0  }
0x24: {  	s3 =	sadd.s32 $0x88, s3;
	s6 =	simm.s32 @!p1 $0x1082;
	[sflag:s4] =	ssyncset.s32 $0xFFFFF086  }
0x25: {  	[simem:s6], [sflag:s4] =	dma.local [hbm:s3], $0xF7A  }
0x26: {  	[smem:$0x3F9B] =	sst s1;
	(tag) =	ssettag s2;
	_ =	strace s9  }
0x27: {  	s1 =	sld [smem:$0x3FAB]  }
0x28: {  	s2 =	sld [smem:$0x3FAC]  }
0x29: {  	s4 =	sld [smem:$0x3FAE]  }
0x2a: {  	p0 =	seq.s32 s5, $0x0;
	s5 =	sld [smem:$0x3FAF]  }
0x2b: {  	s6 =	sld [smem:$0x3FB0]  }
0x2c: {  	s7 =	sld [smem:$0x3FB1]  }
0x2d: {  	s3 =	simm.s32 $0x108;
	s8 =	sld [smem:$0x3FB2]  }
0x2e: {  	s3 =	simm.s32 @!p0 $0x1082;
	s9 =	sld [smem:$0x3FB3]  }
0x2f: {  	lr =	sadd.s32 s0, s3;
	s0 =	sld [smem:$0x3FAA]  }
0x30: {  	s3 =	sld [smem:$0x3FAD]  }
0x31: {  	[smem:$0x3FB6] =	sst s10  }
0x32: {  	s10 =	sld [smem:$0x3FB4];
	_ =	sdelay $0x3  }
0x33: {  	p0 =	seq.s32 s10, $0x1;
	s10 =	sld [smem:$0x3FB6];
	_ =	sdelay $0x3  }
0x34: {  	[smem:$0x3FB6] =	sst s10  }
0x35: {  	s10 =	sld [smem:$0x3FB5];
	_ =	sdelay $0x3  }
0x36: {  	p1 =	seq.s32 s10, $0x1;
	s10 =	sld [smem:$0x3FB6];
	_ =	sdelay $0x3  }
0x37: {  	[smem:$0x3FB6] =	sst s10  }
0x38: {  	s10 =	sld [smem:$0x3FB7]  }
0x39: {  	_ = 	snop;
	(pc) =	sbr.ind lr, $3  }
0x3a: {  	_ = 	snop  }
0x3b: {  	_ = 	snop  }
0x3c: {  	p2 =	seq.s32 s10, $0x1;
	s10 =	sld [smem:$0x3FB6]  }
0x3d: {  	_ =	shalt  }
0x3e: {  	_ =	shalt  }
0x3f: {  	_ =	shalt  }
0x40: {  	_ =	shalt  }
0x41: {  	_ =	shalt  }
0x42: {  	_ =	shalt  }
0x43: {  	_ =	shalt  }
0x44: {  	_ =	shalt  }
0x45: {  	_ =	shalt  }
0x46: {  	_ =	shalt  }
0x47: {  	_ =	shalt  }
0x48: {  	_ =	shalt  }
0x49: {  	_ =	shalt  }
0x4a: {  	_ =	shalt  }
0x4b: {  	_ =	shalt  }
0x4c: {  	_ =	shalt  }
0x4d: {  	_ =	shalt  }
0x4e: {  	_ =	shalt  }
0x4f: {  	_ =	shalt  }
0x50: {  	_ =	shalt  }
0x51: {  	_ =	shalt  }
0x52: {  	_ =	shalt  }
0x53: {  	_ =	shalt  }
0x54: {  	_ =	shalt  }
0x55: {  	_ =	shalt  }
0x56: {  	_ =	shalt  }
0x57: {  	_ =	shalt  }
0x58: {  	_ =	shalt  }
0x59: {  	_ =	shalt  }
0x5a: {  	_ =	shalt  }
0x5b: {  	_ =	shalt  }
0x5c: {  	_ =	shalt  }
0x5d: {  	_ =	shalt  }
0x5e: {  	_ =	shalt  }
0x5f: {  	_ =	shalt  }
0x60: {  	_ =	shalt  }
0x61: {  	_ =	shalt  }
0x62: {  	_ =	shalt  }
0x63: {  	_ =	shalt  }
0x64: {  	_ =	shalt  }
0x65: {  	_ =	shalt  }
0x66: {  	_ =	shalt  }
0x67: {  	_ =	shalt  }
0x68: {  	_ =	shalt  }
0x69: {  	_ =	shalt  }
0x6a: {  	_ =	shalt  }
0x6b: {  	_ =	shalt  }
0x6c: {  	_ =	shalt  }
0x6d: {  	_ =	shalt  }
0x6e: {  	_ =	shalt  }
0x6f: {  	_ =	shalt  }
0x70: {  	_ =	shalt  }
0x71: {  	_ =	shalt  }
0x72: {  	_ =	shalt  }
0x73: {  	_ =	shalt  }
0x74: {  	_ =	shalt  }
0x75: {  	_ =	shalt  }
0x76: {  	_ =	shalt  }
0x77: {  	_ =	shalt  }
0x78: {  	_ =	shalt  }
0x79: {  	_ =	shalt  }
0x7a: {  	_ =	shalt  }
0x7b: {  	_ =	shalt  }
0x7c: {  	_ =	shalt  }
0x7d: {  	_ =	shalt  }
0x7e: {  	_ =	shalt  }
0x7f: {  	_ =	shalt  }
0x80: {  	_ =	shalt  }
0x81: {  	_ =	shalt  }
0x82: {  	_ =	shalt  }
0x83: {  	_ =	shalt  }
0x84: {  	_ =	shalt  }
0x85: {  	_ =	shalt  }
0x86: {  	_ =	shalt  }
0x87: {  	_ =	shalt  }
.Lfunc_end0:
.L_simem_size_0:
called_computation_lowered:
.L_overlay_start_0:
0x88: {  	s2 =	sld [smem:$0x3FD9]  }
0x89: {  	s3 =	sld [smem:$0x3FFE];
	_ =	sdelay $0x1  }
0x8a: {  	s1 =	srdreg.scid  }
0x8b: {  	s0 =	sand.u32 $0x1, s1  }
0x8c: {  	s16 =	sshll.u32 s0, $0xA;
	s2 =	sadd.s32 s3, s2  }
0x8d: {  	s2 =	sadd.s32 s2, s16  }
0x8e: {  	[smem:$0x3FC2] =	sst s2  }
0x8f: {  	_ = 	snop  }
0x90: {  	(tm) =	ssettm $0x1  }
0x91: {  	s17 =	sld [smem:$0x3FFB];
	_ =	sdelay $0x3  }
0x92: {  	_ =	strace s17  }
0x93: {  	s2 =	sld [smem:$0x3FFC];
	_ =	sdelay $0x3  }
0x94: {  	_ =	strace s2  }
0x95: {  	s2 =	sld [smem:$0x3FFD];
	_ =	sdelay $0x3  }
0x96: {  	_ =	strace s2  }
0x97: {  	_ =	strace $0x8FFFFFFF  }
0x98: {  	s18 =	sld [smem:$0x3FDB];
	_ =	sdelay $0x1  }
0x99: {  	s19 =	simm.s32 $_scs_section_size  }
0x9a: {  	s4 =	simm.s32 $_size__tile_overlayer_lowered;
	s5 =	simm.s32 $_tile_overlayer_lowered  }
0x9b: {  	s22 =	simm.s32 $0x1BFF;
	s21 =	sshll.u32 s5, $0x1;
	s2 =	sadd.s32 s19, s18  }
0x9c: {  	s6 =	simm.s32 $0x0;
	s20 =	sshll.u32 s4, $0x1;
	s4 =	sadd.s32 s21, s2  }
0x9d: {  	[timem:s6], [sflag:s22] =	dma.local [hbm:s4], s20  }
0x9e: {  	_ =	swait.ge [sflag:s22], s20  }
0x9f: {  	s3 =	ssub.s32 $0x0, s20;
	[sflag:s22] =	ssyncset.done $0x0  }
0xa0: {  	[sflag:s22] =	ssyncadd.s32 s3;
	_ =	sdelay $0x1  }
0xa1: {  	s23 =	simm.s32 $0x1B8B  }
0xa2: {  	_ =	swait.ge [sflag:s23], $0x1  }
0xa3: {  	[sflag:s23] =	ssyncset.done $0x0  }
0xa4: {  	s25 =	simm.s32 $0x1B8E;
	s24 =	sld [smem:$0x3FFE];
	[sflag:s23] =	ssyncadd.s32 $0xFFFFFFFF  }
0xa5: {  	s26 =	simm.s32 $execute0_lowered;
	[smem:$0x3FD2] =	sst s25  }
0xa6: {  	s4 =	sshll.u32 s26, $0x1;
	_ =	strace $0x80000046;
	[dreg:$0x1] =	wrdreg $0xFFFFFFFF  }
0xa7: {  	s28 =	simm.s32 $_size_execute0_lowered;
	s2 =	sadd.s32 s2, s4;
	[dreg:$0x0] =	wrdreg $0x0  }
0xa8: {  	s4 =	sshll.u32 s28, $0x1;
	[dreg:$0x2] =	wrdreg s2  }
0xa9: {  	[dreg:$0x3] =	wrdreg s4  }
0xaa: {  	[dreg:$0x4] =	wrdreg $0xC0  }
0xab: {  	_ =	task [dreg:s6], $0x5FFFF  }
0xac: {  	[dreg:$0x1] =	wrdreg $0xFFFFFFFF  }
0xad: {  	[dreg:$0x0] =	wrdreg $0x60  }
0xae: {  	[dreg:$0x2] =	wrdreg s24  }
0xaf: {  	[dreg:$0x3] =	wrdreg $0x40800  }
0xb0: {  	[dreg:$0x4] =	wrdreg $0x9  }
0xb1: {  	_ =	task.clear_ibuf [dreg:s6], $0x5FFFF;
	_ =	strace $0x90000046  }
0xb2: {  	s29 =	simm.s32 $0x9;
	_ =	strace $0x80000048  }
0xb3: {  	_ =	swait.ge [sflag:s29], $0x1  }
0xb4: {  	[sflag:s29] =	ssyncadd.s32 $0xFFFFFFFF  }
0xb5: {  	_ =	strace $0x90000048  }
0xb6: {  	_ =	sfence  }
0xb7: {  	s30 =	sld [smem:$0x0];
	_ =	sdelay $0x2  }
0xb8: {  	s31 =	sshll.u32 s1, $0xD;
	s1 =	sshrl.u32 s1, $0x2  }
0xb9: {  	s3 =	sand.u32 $0x4000, s31;
	s1 =	sadd.s32 s1, s30  }
0xba: {  	s0 =	sor.u32 s3, s0;
	s1 =	sshll.u32 s1, $0x11  }
0xbb: {  	s0 =	sor.u32 s1, s0  }
0xbc: {  	s0 =	sadd.s32 $0x8F2B, s0  }
0xbd: {  	[sflag:s0] =	ssyncadd.remote.s32 $0x1  }
0xbe: {  	_ =	sfence.sel $0xFFFF  }
0xbf: {  	[dreg:$0x0] =	wrdreg $0xFFFFFFFF;
	(pc) =	sbr.abs _section_cstart, $3  }
0xc0: {  	[dreg:$0x1] =	wrdreg $0xFFFFFFFF  }
0xc1: {  	_ =	task.clear_ibuf [dreg:s6], $0x2FFFF;
	_ =	strace $0x9FFFFFFF  }
0xc2: {  	(tm) =	ssettm $0x7FFFFFFF  }
0xc3: {  	_ =	shalt  }
tec
execute0_lowered:
.L_overlay_start_1:
0x0: {  	(tag) =	ssettag $0x1  }
0x1: {  	s4 =	rddreg [dreg:$0x0]  }
0x2: {  	s1 =	srdreg.scid;
	s0 =	stileid.u32  }
0x3: {  	s2 =	rddreg [dreg:$0x1];
	s6 =	smul.u32 $0x280, s0  }
0x4: {  	s3 =	simm.s32 $0x0;
	s16 =	simm.s32 $0x80;
	s28 =	smul.u32 $0x50000, s0  }
0x5: {  	s17 =	simm.s32 $0x1;
	s5 =	sand.u32 $0x1, s1;
	s15 =	smul.u32 $0x4F0, s0  }
0x6: {  	s18 =	simm.s32 $0x0;
	s1 =	rddreg [dreg:$0x2];
	s7 =	smul.u32 $0x2800, s5  }
0x7: {  	[smem:$0x7FF] =	sst s3;
	s8 =	smul.u32 $0x4F00, s5;
	s5 =	ssub.s32 $0x2, s5  }
0x8: {  	_ =	strace $0x80000047;
	s29 =	sshrl.u32 s5, $0x1;
	s6 =	sadd.s32 s7, s6  }
0x9: {  	s30 =	sshrl.u32 s28, $0x2;
	s13 =	sadd.s32 s8, s4;
	s6 =	sshll.u32 s6, $0x4  }
0xa: {  	s31 =	ssub.s32 s5, s29;
	s15 =	sadd.s32 s15, s13;
	s14 =	sadd.s32 s6, s4  }
0xb: {  	s4 =	sadd.s32 s30, s2;
	s6 =	smax.u32 s31, $0x1;
	s15 =	sadd.s32 $0x1800, s15  }
0xc: {  	s5 =	sadd.s32 $0xB600, s14;
	s7 =	sadd.s32 $0x4000, s4;
	s8 =	sadd.s32 $0x8000, s4  }
0xd: {  	s9 =	sadd.s32 $0xC000, s4;
	s10 =	sadd.s32 $0x10000, s4;
	s11 =	sadd.s32 $0xBE00, s14  }
0xe: {  	v0 =	vimm.f32 $0.0e+00;
	v1 =	vimm.f32 $1.000000000e+00;
	s12 =	sadd.s32 $0xC600, s14;
	s13 =	sadd.s32 $0xCE00, s14;
	s14 =	sadd.s32 $0xD600, s14  }
.LBB2_1:
0xf: {  	s19 =	sand.u32 $0xFE00, s3  }
0x10: {  	s20 =	sand.u32 $0x70, s3;
	s21 =	sshrl.u32 s19, $0x2  }
0x11: {  	s19 =	simm.s32 $0x40;
	s21 =	sor.u32 s20, s21;
	s20 =	simm.s32 $0x0  }
.LBB2_2:
0x12: {  	p0 =	sne.s32 s19, $0xFFC0  }
0x13: {  	[tilespmem:s21+$0x80] =	vst v0;
	s20 =	sadd.s32 $0x10, s20;
	s21 =	smov.u32 s19;
	s19 =	sadd.s32 $0x40, s19  }
.Ltmp0:
0x14: {  	(pc) =	sbr.rel @p0 .LBB2_2-.Ltmp0, $4  }
0x15: {  	_ = 	snop  }
0x16: {  	s21 =	sand.u32 $0xFE00, s21  }
0x17: {  	s22 =	sand.u32 $0x70, s20;
	s21 =	sshrl.u32 s21, $0x2  }
0x18: {  	s21 =	sor.u32 s22, s21  }
0x19: {  	[tilespmem:s21+$0x80] =	vst v0  }
0x1a: {  	[spmem:s4] =	stream.linear.scatter [tilespmem:s16], [sflag:$0x1], $0x4000, $0x38;
	[tilespmem:$0x18080] =	vst v63  }
0x1b: {  	_ =	swait.ge [sflag:s17], $0x4000  }
0x1c: {  	[sflag:s17] =	ssyncset.done $0x0  }
0x1d: {  	[sflag:s17] =	ssyncadd.s32 $0xFFFFC000  }
0x1e: {  	[spmem:s7] =	stream.linear.scatter [tilespmem:s16], [sflag:$0x1], $0x4000, $0x38;
	[tilespmem:$0x18080] =	vst v63  }
0x1f: {  	_ =	swait.ge [sflag:s17], $0x4000  }
0x20: {  	[sflag:s17] =	ssyncset.done $0x0  }
0x21: {  	[sflag:s17] =	ssyncadd.s32 $0xFFFFC000  }
0x22: {  	[spmem:s8] =	stream.linear.scatter [tilespmem:s16], [sflag:$0x1], $0x4000, $0x38;
	[tilespmem:$0x18080] =	vst v63  }
0x23: {  	_ =	swait.ge [sflag:s17], $0x4000  }
0x24: {  	[sflag:s17] =	ssyncset.done $0x0  }
0x25: {  	[sflag:s17] =	ssyncadd.s32 $0xFFFFC000  }
0x26: {  	[spmem:s9] =	stream.linear.scatter [tilespmem:s16], [sflag:$0x1], $0x4000, $0x38;
	[tilespmem:$0x18080] =	vst v63  }
0x27: {  	_ =	swait.ge [sflag:s17], $0x4000  }
0x28: {  	[sflag:s17] =	ssyncset.done $0x0  }
0x29: {  	s19 =	simm.s32 $0x0;
	[sflag:s17] =	ssyncadd.s32 $0xFFFFC000  }
0x2a: {  	[spmem:s10] =	stream.linear.scatter [tilespmem:s16], [sflag:$0x1], $0x4000, $0x38;
	[tilespmem:$0x18080] =	vst v63  }
0x2b: {  	s20 =	sand.u32 $0xFE00, s19;
	_ =	swait.ge [sflag:s17], $0x4000  }
0x2c: {  	s31 =	sand.u32 $0x70, s19;
	s22 =	sshrl.u32 s20, $0x2;
	[sflag:s17] =	ssyncset.done $0x0  }
0x2d: {  	s20 =	simm.s32 $0x40;
	s21 =	sor.u32 s31, s22;
	[sflag:s17] =	ssyncadd.s32 $0xFFFFC000  }
.LBB2_4:
0x2e: {  	p0 =	sne.s32 s20, $0xFFC0  }
0x2f: {  	[tilespmem:s21+$0x80] =	vst v1;
	s19 =	sadd.s32 $0x10, s19;
	s21 =	smov.u32 s20;
	s20 =	sadd.s32 $0x40, s20  }
.Ltmp1:
0x30: {  	(pc) =	sbr.rel @p0 .LBB2_4-.Ltmp1, $4  }
0x31: {  	_ = 	snop  }
0x32: {  	s21 =	sand.u32 $0xFE00, s21  }
0x33: {  	s22 =	sand.u32 $0x70, s19;
	s21 =	sshrl.u32 s21, $0x2  }
0x34: {  	s21 =	sor.u32 s22, s21  }
0x35: {  	[tilespmem:s21+$0x80] =	vst v1  }
0x36: {  	s19 =	sadd.s32 $0x0, s15;
	[bflag:$0x0] =	sbarrier.arrive $0xFFFF  }
0x37: {  	[tilespmem:s3], [sflag:$0x1] =	stream.linear.gather [hbm4b:s19+s3], $0x80, $0x38;
	[tilespmem:$0x18080] =	vst v63  }
0x38: {  	_ =	swait.ge [sflag:s17], $0x80  }
0x39: {  	[sflag:s17] =	ssyncset.done $0x0  }
0x3a: {  	[sflag:s17] =	ssyncadd.s32 $0xFFFFFF80  }
0x3b: {  	[spmem:s2] =	stream.indirect.scatter.add.f32 [tilespmem:s16], [sflag:$0x1], $0x80, s3, s16, $0xb8;
	[tilespmem:$0x18080] =	vst v63  }
0x3c: {  	_ =	swait.ge [sflag:s17], $0x4000  }
0x3d: {  	s20 =	simm.s32 $0x20;
	s19 =	simm.s32 $0x10;
	[sflag:s17] =	ssyncset.done $0x0  }
.LBB2_6:
0x3e: {  	s21 =	sadd.s32 s19, s15  }
0x3f: {  	[sflag:s17] =	ssyncadd.s32 $0xFFFFC000;
	s19 =	smov.u32 s20;
	s22 =	sadd.s32 $0x10, s20  }
0x40: {  	[tilespmem:s3], [sflag:$0x1] =	stream.linear.gather [hbm4b:s21+s3], $0x80, $0x38;
	[tilespmem:$0x18080] =	vst v63  }
0x41: {  	p0 =	sne.s32 s20, $0x4E0;
	_ =	swait.ge [sflag:s17], $0x80  }
.Ltmp2:
0x42: {  	[sflag:s17] =	ssyncset.done $0x0;
	(pc) =	sbr.rel @p0 .LBB2_6-.Ltmp2, $4  }
0x43: {  	[sflag:s17] =	ssyncadd.s32 $0xFFFFFF80  }
0x44: {  	[spmem:s2] =	stream.indirect.scatter.add.f32 [tilespmem:s16], [sflag:$0x1], $0x80, s3, s16, $0xb8;
	[tilespmem:$0x18080] =	vst v63  }
0x45: {  	_ =	swait.ge [sflag:s17], $0x4000  }
0x46: {  	s20 =	smov.u32 s22;
	[sflag:s17] =	ssyncset.done $0x0  }
0x47: {  	s19 =	sadd.s32 s19, s15;
	[sflag:s17] =	ssyncadd.s32 $0xFFFFC000  }
0x48: {  	[tilespmem:s3], [sflag:$0x1] =	stream.linear.gather [hbm4b:s19+s3], $0x80, $0x38;
	[tilespmem:$0x18080] =	vst v63  }
0x49: {  	_ =	swait.ge [sflag:s17], $0x80  }
0x4a: {  	[sflag:s17] =	ssyncset.done $0x0  }
0x4b: {  	[sflag:s17] =	ssyncadd.s32 $0xFFFFFF80  }
0x4c: {  	[spmem:s2] =	stream.indirect.scatter.add.f32 [tilespmem:s16], [sflag:$0x1], $0x80, s3, s16, $0xb8;
	[tilespmem:$0x18080] =	vst v63  }
0x4d: {  	_ =	swait.ge [sflag:s17], $0x4000  }
0x4e: {  	[sflag:s17] =	ssyncset.done $0x0  }
0x4f: {  	s26 =	sshll.u32 s0, $0x6;
	[sflag:s17] =	ssyncadd.s32 $0xFFFFC000  }
0x50: {  	s20 =	sshrl.u32 s4, $0x3;
	s19 =	sor.u32 $0x1C01, s26;
	[bflag:$0x0] =	sbarrier.arrive $0xFFFF  }
0x51: {  	[hbm:s5], [sflag:s19] =	dma.local [spmem:s20], $0x800  }
0x52: {  	_ =	swait.ge [sflag:s17], $0x800  }
0x53: {  	[sflag:s17] =	ssyncset.done $0x0  }
0x54: {  	s28 =	sshrl.u32 s7, $0x3;
	[sflag:s17] =	ssyncadd.s32 $0xFFFFF800  }
0x55: {  	[hbm:s11], [sflag:s19] =	dma.local [spmem:s28], $0x800  }
0x56: {  	_ =	swait.ge [sflag:s17], $0x800  }
0x57: {  	[sflag:s17] =	ssyncset.done $0x0  }
0x58: {  	s29 =	sshrl.u32 s8, $0x3;
	[sflag:s17] =	ssyncadd.s32 $0xFFFFF800  }
0x59: {  	[hbm:s12], [sflag:s19] =	dma.local [spmem:s29], $0x800  }
0x5a: {  	_ =	swait.ge [sflag:s17], $0x800  }
0x5b: {  	[sflag:s17] =	ssyncset.done $0x0  }
0x5c: {  	s30 =	sshrl.u32 s9, $0x3;
	[sflag:s17] =	ssyncadd.s32 $0xFFFFF800  }
0x5d: {  	[hbm:s13], [sflag:s19] =	dma.local [spmem:s30], $0x800  }
0x5e: {  	s18 =	sadd.s32 $0x1, s18;
	_ =	swait.ge [sflag:s17], $0x800  }
0x5f: {  	p0 =	sne.s32 s18, s6;
	[sflag:s17] =	ssyncset.done $0x0  }
.Ltmp3:
0x60: {  	s31 =	sshrl.u32 s10, $0x3;
	[sflag:s17] =	ssyncadd.s32 $0xFFFFF800;
	(pc) =	sbr.rel @p0 .LBB2_1-.Ltmp3, $4  }
0x61: {  	[hbm:s14], [sflag:s19] =	dma.local [spmem:s31], $0x800  }
0x62: {  	_ =	swait.ge [sflag:s17], $0x800  }
0x63: {  	[sflag:s17] =	ssyncset.done $0x0  }
0x64: {  	[sflag:s17] =	ssyncadd.s32 $0xFFFFF800  }
0x65: {  	_ =	sfence.sel $0x180000  }
0x66: {  	[bflag:$0x0] =	sbarrier.arrive $0xFFFF  }
0x67: {  	p0 =	sne.s32 s0, $0x0;
	_ =	strace $0x90000047  }
0x68: {  	s0 =	sadd.s32 @!p0 $0x100000, s1;
	[bflag:$0x2] =	sbarrier.arrive $0xFFFF  }
0x69: {  	[sflag:s0] =	ssyncadd.tile.s32 @!p0 $0x1;
	_ =	shalt  }
.Lfunc_end2:
_tile_overlayer_lowered:
.L_overlay_start_2:
0x6a: {  	(tag) =	ssettag $0x2  }
0x6b: {  	s0 =	rddreg [dreg:$0x0];
	s2 =	stileid.u32  }
0x6c: {  	s1 =	rddreg [dreg:$0x1];
	p0 =	sne.s32 s2, $0x0  }
0x6d: {  	s3 =	rddreg [dreg:$0x2];
	[bflag:$0x3] =	sbarrier.arrive $0xFFFF;
	s2 =	simm.s32 @!p0 $0x1C01  }
0x6e: {  	[timem:s3], [sflag:s2] =	dma.local @!p0 [hbm:s0], s1  }
0x6f: {  	s0 =	simm.s32 @!p0 $0x1  }
0x70: {  	_ =	swait.ge @!p0 [sflag:s0], s1  }
0x71: {  	s1 =	ssub.s32 @!p0 $0x0, s1;
	[sflag:s0] =	ssyncset.done @!p0 $0x0  }
0x72: {  	[sflag:s0] =	ssyncadd.s32 @!p0 s1  }
0x73: {  	[bflag:$0x3] =	sbarrier.arrive $0xFFFF  }
0x74: {  	_ =	shalt  }

</sc_bundles>
